<compile_context>
chip_gen: v7x
topology: tpu7x:2x2x1
jax: 0.10.2.dev20260603
libtpu: 0.0.44.dev20260713+nightly
codegen_flags: <defaults>
</compile_context>

<pallas_src>
import functools

import jax
import jax.numpy as jnp
from jax import lax
from jax.experimental import pallas as pl
from jax.experimental.pallas import tpu as pltpu
from jax.experimental.pallas import tpu_sc as plsc

VOCAB = 100000
D1 = 20
D2 = 32
B = 1024
F = 26

D = D1 * D2
NW = 32
DD_PER_W = D // NW
SEG = 99968
TAILW = 128
NBLK = B // 16

QUARTERS = ((0, 25088), (25088, 25088), (50176, 25088), (75264, 24704))


def _make_gather():
    mesh = plsc.VectorSubcoreMesh(core_axis_name="c", subcore_axis_name="s")

    @functools.partial(
        pl.kernel,
        mesh=mesh,
        out_type=jax.ShapeDtypeStruct((F, D, B), jnp.float32),
        scratch_types=[
            pltpu.VMEM((VOCAB,), jnp.float32),
            pltpu.VMEM((TAILW,), jnp.float32),
            pltpu.VMEM((4, B), jnp.int32),
            pltpu.VMEM((4, B), jnp.float32),
            pltpu.SemaphoreType.DMA,
            pltpu.SemaphoreType.DMA,
            pltpu.SemaphoreType.DMA,
        ],
        compiler_params=pltpu.CompilerParams(needs_layout_passes=False),
    )
    def gather_kernel(
        mt_hbm, tail_hbm, idx_hbm, out_hbm, row_v, tailrow_v, idxb, obuf,
        isem, osem, rsem,
    ):
        wid = lax.axis_index("s") * 2 + lax.axis_index("c")
        dd0 = wid * DD_PER_W

        def per_dd(k, _):
            dd = dd0 + k

            for ff in range(3):
                pltpu.async_copy(idx_hbm.at[ff], idxb.at[ff], isem)

            for o, l in QUARTERS:
                pltpu.async_copy(
                    mt_hbm.at[dd, pl.ds(o, l)], row_v.at[pl.ds(o, l)], rsem
                )
            pltpu.async_copy(tail_hbm.at[dd], tailrow_v, rsem)
            for o, l in QUARTERS:
                pltpu.make_async_copy(
                    mt_hbm.at[dd, pl.ds(o, l)], row_v.at[pl.ds(o, l)], rsem
                ).wait()
            pltpu.make_async_copy(tail_hbm.at[dd], tailrow_v, rsem).wait()
            row_v[pl.ds(SEG, 16)] = tailrow_v[pl.ds(96, 16)]
            row_v[pl.ds(SEG + 16, 16)] = tailrow_v[pl.ds(112, 16)]

            def per_f(f, _):
                fb = lax.rem(f, 4)
                ob = lax.rem(f, 4)
                g = k * F + f

                pltpu.make_async_copy(idx_hbm.at[f], idxb.at[fb], isem).wait()

                @pl.when(f < F - 3)
                def _():
                    pltpu.async_copy(
                        idx_hbm.at[f + 3], idxb.at[lax.rem(f + 3, 4)], isem
                    )

                @pl.when(g >= 4)
                def _():
                    pltpu.make_async_copy(
                        obuf.at[ob], out_hbm.at[f, dd], osem
                    ).wait()

                def swp(j, _):
                    base = j * 64
                    v0 = idxb[fb, pl.ds(base, 16)]
                    v1 = idxb[fb, pl.ds(base + 16, 16)]
                    v2 = idxb[fb, pl.ds(base + 32, 16)]
                    v3 = idxb[fb, pl.ds(base + 48, 16)]
                    g0 = plsc.load_gather(row_v, [v0])
                    g1 = plsc.load_gather(row_v, [v1])
                    g2 = plsc.load_gather(row_v, [v2])
                    g3 = plsc.load_gather(row_v, [v3])
                    obuf[ob, pl.ds(base, 16)] = g0
                    obuf[ob, pl.ds(base + 16, 16)] = g1
                    obuf[ob, pl.ds(base + 32, 16)] = g2
                    obuf[ob, pl.ds(base + 48, 16)] = g3
                    return 0

                lax.fori_loop(0, NBLK // 4, swp, 0)

                pltpu.async_copy(obuf.at[ob], out_hbm.at[f, dd], osem)
                return 0

            lax.fori_loop(0, F, per_f, 0)
            return 0

        lax.fori_loop(0, DD_PER_W, per_dd, 0)

        for t in range(4):
            pltpu.make_async_copy(obuf.at[t], out_hbm.at[t, dd0], osem).wait()

    return gather_kernel


_gather = _make_gather()


def kernel(i, m):
    mt = jnp.transpose(m, (1, 2, 0)).reshape(D, VOCAB)
    mtail = jnp.transpose(m[VOCAB - TAILW :], (1, 2, 0)).reshape(D, TAILW)
    iT = jnp.transpose(i.astype(jnp.int32), (1, 0))
    out_t = _gather(mt, mtail, iT)
    return jnp.transpose(out_t.reshape(F, D1, D2, B), (3, 0, 1, 2))

# --- scband reference (transcript-rebuilt; emitter-appended) ---
"""Pipeline reference for scband-embedding3-d-68350109548775 (READ-ONLY COPY).

The authoritative reference and input builder live on the scoring server;
editing this copy changes nothing except your own understanding.
"""

import jax, jax.numpy as jnp
import numpy as np

VOCAB = 100000
D1 = 20
D2 = 32
B = 1024
F = 26

def setup_inputs(seed: int = 0) -> dict:
    key = jax.random.key(seed)
    k_m, k_i = jax.random.split(key)
    m = jax.random.normal(k_m, (VOCAB, D1, D2), dtype=jnp.float32)
    i = jax.random.randint(k_i, (B, F), 0, VOCAB, dtype=jnp.int64)
    return {"i": i, "m": m}

def reference(i, m):
    # Faithful translation of: return self.m[i]
    # Gather rows of a 3D table -> output [B, F, D1, D2]
    return jnp.take(m, i, axis=0)

if __name__ == "__main__":
    import jax
    _d = setup_inputs()
    print(jax.jit(kernel)(*tuple(_d.values())))

</pallas_src>

<mosaic_0001>
#map = affine_map<(d0, d1) -> (0, 0)>
#map1 = affine_map<(d0, d1) -> (0, 0, 0)>
module attributes {stable_mosaic.version = 14 : i64} {
  func.func @gather_kernel(%arg0: i32, %arg1: i32, %arg2: memref<640x100000xf32, #tpu.memory_space<hbm>>, %arg3: memref<640x128xf32, #tpu.memory_space<hbm>>, %arg4: memref<26x1024xi32, #tpu.memory_space<hbm>>, %arg5: memref<26x640x1024xf32, #tpu.memory_space<hbm>>, %arg6: memref<100000xf32, #tpu.memory_space<vmem>>, %arg7: memref<128xf32, #tpu.memory_space<vmem>>, %arg8: memref<4x1024xi32, #tpu.memory_space<vmem>>, %arg9: memref<4x1024xf32, #tpu.memory_space<vmem>>, %arg10: memref<!tpu.dma_semaphore, #tpu.memory_space<semaphore_mem>>, %arg11: memref<!tpu.dma_semaphore, #tpu.memory_space<semaphore_mem>>, %arg12: memref<!tpu.dma_semaphore, #tpu.memory_space<semaphore_mem>>) attributes {dimension_semantics = [#tpu.dimension_semantics<core_parallel>, #tpu.dimension_semantics<subcore_parallel>], iteration_bounds = array<i64: 2, 16>, scalar_prefetch = 0 : i64, scratch_operands = 7 : i64, tpu.core_type = #tpu.core_type<sc_vector_subcore>, window_params = [{transform_indices = #map}, {transform_indices = #map}, {transform_indices = #map}, {transform_indices = #map1}]} {
    %mul3A = arith.constant 2 : i32
    %mul3A_0 = arith.muli %arg1, %mul3A : i32
    %add3A = arith.addi %mul3A_0, %arg0 : i32
    %mul3A_1 = arith.constant 20 : i32
    %mul3A_2 = arith.muli %add3A, %mul3A_1 : i32
    %scan3A = arith.constant 0 : i32
    %scan3A_3 = arith.constant 0 : i32
    %scan3A_4 = arith.constant 20 : i32
    %scan3A_5 = arith.addi %scan3A_3, %scan3A_4 : i32
    %scan3A_6 = arith.constant 1 : i32
    %scan3A_7 = scf.for %scan3A_64 = %scan3A_3 to %scan3A_5 step %scan3A_6 iter_args(%scan3A_65 = %scan3A) -> (i32)  : i32 {
      %add3A_66 = arith.addi %mul3A_2, %scan3A_64 : i32
      %dma_start3A = arith.constant 0 : i32
      %dma_start3A_67 = arith.constant 0 : i32
      %dma_start3A_68 = arith.constant 0 : i32
      %dma_start3A_69 = tpu.memref_slice %arg8[%dma_start3A_67, %dma_start3A_68] : memref<4x1024xi32, #tpu.memory_space<vmem>> -> memref<1x1024xi32, #tpu.memory_space<vmem>>
      %dma_start3A_70 = tpu.memref_squeeze %dma_start3A_69 : memref<1x1024xi32, #tpu.memory_space<vmem>> -> memref<1024xi32, #tpu.memory_space<vmem>>
      %dma_start3A_71 = arith.constant 0 : i32
      %dma_start3A_72 = tpu.memref_slice %arg4[%dma_start3A, %dma_start3A_71] : memref<26x1024xi32, #tpu.memory_space<hbm>> -> memref<1x1024xi32, #tpu.memory_space<hbm>>
      %dma_start3A_73 = tpu.memref_squeeze %dma_start3A_72 : memref<1x1024xi32, #tpu.memory_space<hbm>> -> memref<1024xi32, #tpu.memory_space<hbm>>
      %dma_start3A_74 = arith.constant 0 : i32
      %dma_start3A_75 = tpu.memref_slice %arg8[%dma_start3A_67, %dma_start3A_74] : memref<4x1024xi32, #tpu.memory_space<vmem>> -> memref<1x1024xi32, #tpu.memory_space<vmem>>
      %dma_start3A_76 = tpu.memref_squeeze %dma_start3A_75 : memref<1x1024xi32, #tpu.memory_space<vmem>> -> memref<1024xi32, #tpu.memory_space<vmem>>
      %dma_start3A_77 = arith.constant 0 : i32
      %dma_start3A_78 = tpu.memref_slice %arg4[%dma_start3A, %dma_start3A_77] : memref<26x1024xi32, #tpu.memory_space<hbm>> -> memref<1x1024xi32, #tpu.memory_space<hbm>>
      %dma_start3A_79 = tpu.memref_squeeze %dma_start3A_78 : memref<1x1024xi32, #tpu.memory_space<hbm>> -> memref<1024xi32, #tpu.memory_space<hbm>>
      tpu.enqueue_dma source(%dma_start3A_79 : memref<1024xi32, #tpu.memory_space<hbm>>) target(%dma_start3A_76 : memref<1024xi32, #tpu.memory_space<vmem>>) target_semaphore(%arg10 : memref<!tpu.dma_semaphore, #tpu.memory_space<semaphore_mem>>)
      %dma_start3A_80 = arith.constant 1 : i32
      %dma_start3A_81 = arith.constant 1 : i32
      %dma_start3A_82 = arith.constant 0 : i32
      %dma_start3A_83 = tpu.memref_slice %arg8[%dma_start3A_81, %dma_start3A_82] : memref<4x1024xi32, #tpu.memory_space<vmem>> -> memref<1x1024xi32, #tpu.memory_space<vmem>>
      %dma_start3A_84 = tpu.memref_squeeze %dma_start3A_83 : memref<1x1024xi32, #tpu.memory_space<vmem>> -> memref<1024xi32, #tpu.memory_space<vmem>>
      %dma_start3A_85 = arith.constant 0 : i32
      %dma_start3A_86 = tpu.memref_slice %arg4[%dma_start3A_80, %dma_start3A_85] : memref<26x1024xi32, #tpu.memory_space<hbm>> -> memref<1x1024xi32, #tpu.memory_space<hbm>>
      %dma_start3A_87 = tpu.memref_squeeze %dma_start3A_86 : memref<1x1024xi32, #tpu.memory_space<hbm>> -> memref<1024xi32, #tpu.memory_space<hbm>>
      %dma_start3A_88 = arith.constant 0 : i32
      %dma_start3A_89 = tpu.memref_slice %arg8[%dma_start3A_81, %dma_start3A_88] : memref<4x1024xi32, #tpu.memory_space<vmem>> -> memref<1x1024xi32, #tpu.memory_space<vmem>>
      %dma_start3A_90 = tpu.memref_squeeze %dma_start3A_89 : memref<1x1024xi32, #tpu.memory_space<vmem>> -> memref<1024xi32, #tpu.memory_space<vmem>>
      %dma_start3A_91 = arith.constant 0 : i32
      %dma_start3A_92 = tpu.memref_slice %arg4[%dma_start3A_80, %dma_start3A_91] : memref<26x1024xi32, #tpu.memory_space<hbm>> -> memref<1x1024xi32, #tpu.memory_space<hbm>>
      %dma_start3A_93 = tpu.memref_squeeze %dma_start3A_92 : memref<1x1024xi32, #tpu.memory_space<hbm>> -> memref<1024xi32, #tpu.memory_space<hbm>>
      tpu.enqueue_dma source(%dma_start3A_93 : memref<1024xi32, #tpu.memory_space<hbm>>) target(%dma_start3A_90 : memref<1024xi32, #tpu.memory_space<vmem>>) target_semaphore(%arg10 : memref<!tpu.dma_semaphore, #tpu.memory_space<semaphore_mem>>)
      %dma_start3A_94 = arith.constant 2 : i32
      %dma_start3A_95 = arith.constant 2 : i32
      %dma_start3A_96 = arith.constant 0 : i32
      %dma_start3A_97 = tpu.memref_slice %arg8[%dma_start3A_95, %dma_start3A_96] : memref<4x1024xi32, #tpu.memory_space<vmem>> -> memref<1x1024xi32, #tpu.memory_space<vmem>>
      %dma_start3A_98 = tpu.memref_squeeze %dma_start3A_97 : memref<1x1024xi32, #tpu.memory_space<vmem>> -> memref<1024xi32, #tpu.memory_space<vmem>>
      %dma_start3A_99 = arith.constant 0 : i32
      %dma_start3A_100 = tpu.memref_slice %arg4[%dma_start3A_94, %dma_start3A_99] : memref<26x1024xi32, #tpu.memory_space<hbm>> -> memref<1x1024xi32, #tpu.memory_space<hbm>>
      %dma_start3A_101 = tpu.memref_squeeze %dma_start3A_100 : memref<1x1024xi32, #tpu.memory_space<hbm>> -> memref<1024xi32, #tpu.memory_space<hbm>>
      %dma_start3A_102 = arith.constant 0 : i32
      %dma_start3A_103 = tpu.memref_slice %arg8[%dma_start3A_95, %dma_start3A_102] : memref<4x1024xi32, #tpu.memory_space<vmem>> -> memref<1x1024xi32, #tpu.memory_space<vmem>>
      %dma_start3A_104 = tpu.memref_squeeze %dma_start3A_103 : memref<1x1024xi32, #tpu.memory_space<vmem>> -> memref<1024xi32, #tpu.memory_space<vmem>>
      %dma_start3A_105 = arith.constant 0 : i32
      %dma_start3A_106 = tpu.memref_slice %arg4[%dma_start3A_94, %dma_start3A_105] : memref<26x1024xi32, #tpu.memory_space<hbm>> -> memref<1x1024xi32, #tpu.memory_space<hbm>>
      %dma_start3A_107 = tpu.memref_squeeze %dma_start3A_106 : memref<1x1024xi32, #tpu.memory_space<hbm>> -> memref<1024xi32, #tpu.memory_space<hbm>>
      tpu.enqueue_dma source(%dma_start3A_107 : memref<1024xi32, #tpu.memory_space<hbm>>) target(%dma_start3A_104 : memref<1024xi32, #tpu.memory_space<vmem>>) target_semaphore(%arg10 : memref<!tpu.dma_semaphore, #tpu.memory_space<semaphore_mem>>)
      %dma_start3A_108 = arith.constant 0 : i32
      %dma_start3A_109 = tpu.memref_slice %arg6[%dma_start3A_108] : memref<100000xf32, #tpu.memory_space<vmem>> -> memref<25088xf32, #tpu.memory_space<vmem>>
      %dma_start3A_110 = arith.constant 0 : i32
      %dma_start3A_111 = tpu.memref_slice %arg2[%add3A_66, %dma_start3A_110] : memref<640x100000xf32, #tpu.memory_space<hbm>> -> memref<1x25088xf32, #tpu.memory_space<hbm>>
      %dma_start3A_112 = tpu.memref_squeeze %dma_start3A_111 : memref<1x25088xf32, #tpu.memory_space<hbm>> -> memref<25088xf32, #tpu.memory_space<hbm>>
      %dma_start3A_113 = arith.constant 0 : i32
      %dma_start3A_114 = tpu.memref_slice %arg6[%dma_start3A_113] : memref<100000xf32, #tpu.memory_space<vmem>> -> memref<25088xf32, #tpu.memory_space<vmem>>
      %dma_start3A_115 = arith.constant 0 : i32
      %dma_start3A_116 = tpu.memref_slice %arg2[%add3A_66, %dma_start3A_115] : memref<640x100000xf32, #tpu.memory_space<hbm>> -> memref<1x25088xf32, #tpu.memory_space<hbm>>
      %dma_start3A_117 = tpu.memref_squeeze %dma_start3A_116 : memref<1x25088xf32, #tpu.memory_space<hbm>> -> memref<25088xf32, #tpu.memory_space<hbm>>
      tpu.enqueue_dma source(%dma_start3A_117 : memref<25088xf32, #tpu.memory_space<hbm>>) target(%dma_start3A_114 : memref<25088xf32, #tpu.memory_space<vmem>>) target_semaphore(%arg12 : memref<!tpu.dma_semaphore, #tpu.memory_space<semaphore_mem>>)
      %dma_start3A_118 = arith.constant 25088 : i32
      %dma_start3A_119 = tpu.memref_slice %arg6[%dma_start3A_118] : memref<100000xf32, #tpu.memory_space<vmem>> -> memref<25088xf32, #tpu.memory_space<vmem>>
      %dma_start3A_120 = arith.constant 25088 : i32
      %dma_start3A_121 = tpu.memref_slice %arg2[%add3A_66, %dma_start3A_120] : memref<640x100000xf32, #tpu.memory_space<hbm>> -> memref<1x25088xf32, #tpu.memory_space<hbm>>
      %dma_start3A_122 = tpu.memref_squeeze %dma_start3A_121 : memref<1x25088xf32, #tpu.memory_space<hbm>> -> memref<25088xf32, #tpu.memory_space<hbm>>
      %dma_start3A_123 = arith.constant 25088 : i32
      %dma_start3A_124 = tpu.memref_slice %arg6[%dma_start3A_123] : memref<100000xf32, #tpu.memory_space<vmem>> -> memref<25088xf32, #tpu.memory_space<vmem>>
      %dma_start3A_125 = arith.constant 25088 : i32
      %dma_start3A_126 = tpu.memref_slice %arg2[%add3A_66, %dma_start3A_125] : memref<640x100000xf32, #tpu.memory_space<hbm>> -> memref<1x25088xf32, #tpu.memory_space<hbm>>
      %dma_start3A_127 = tpu.memref_squeeze %dma_start3A_126 : memref<1x25088xf32, #tpu.memory_space<hbm>> -> memref<25088xf32, #tpu.memory_space<hbm>>
      tpu.enqueue_dma source(%dma_start3A_127 : memref<25088xf32, #tpu.memory_space<hbm>>) target(%dma_start3A_124 : memref<25088xf32, #tpu.memory_space<vmem>>) target_semaphore(%arg12 : memref<!tpu.dma_semaphore, #tpu.memory_space<semaphore_mem>>)
      %dma_start3A_128 = arith.constant 50176 : i32
      %dma_start3A_129 = tpu.memref_slice %arg6[%dma_start3A_128] : memref<100000xf32, #tpu.memory_space<vmem>> -> memref<25088xf32, #tpu.memory_space<vmem>>
      %dma_start3A_130 = arith.constant 50176 : i32
      %dma_start3A_131 = tpu.memref_slice %arg2[%add3A_66, %dma_start3A_130] : memref<640x100000xf32, #tpu.memory_space<hbm>> -> memref<1x25088xf32, #tpu.memory_space<hbm>>
      %dma_start3A_132 = tpu.memref_squeeze %dma_start3A_131 : memref<1x25088xf32, #tpu.memory_space<hbm>> -> memref<25088xf32, #tpu.memory_space<hbm>>
      %dma_start3A_133 = arith.constant 50176 : i32
      %dma_start3A_134 = tpu.memref_slice %arg6[%dma_start3A_133] : memref<100000xf32, #tpu.memory_space<vmem>> -> memref<25088xf32, #tpu.memory_space<vmem>>
      %dma_start3A_135 = arith.constant 50176 : i32
      %dma_start3A_136 = tpu.memref_slice %arg2[%add3A_66, %dma_start3A_135] : memref<640x100000xf32, #tpu.memory_space<hbm>> -> memref<1x25088xf32, #tpu.memory_space<hbm>>
      %dma_start3A_137 = tpu.memref_squeeze %dma_start3A_136 : memref<1x25088xf32, #tpu.memory_space<hbm>> -> memref<25088xf32, #tpu.memory_space<hbm>>
      tpu.enqueue_dma source(%dma_start3A_137 : memref<25088xf32, #tpu.memory_space<hbm>>) target(%dma_start3A_134 : memref<25088xf32, #tpu.memory_space<vmem>>) target_semaphore(%arg12 : memref<!tpu.dma_semaphore, #tpu.memory_space<semaphore_mem>>)
      %dma_start3A_138 = arith.constant 75264 : i32
      %dma_start3A_139 = tpu.memref_slice %arg6[%dma_start3A_138] : memref<100000xf32, #tpu.memory_space<vmem>> -> memref<24704xf32, #tpu.memory_space<vmem>>
      %dma_start3A_140 = arith.constant 75264 : i32
      %dma_start3A_141 = tpu.memref_slice %arg2[%add3A_66, %dma_start3A_140] : memref<640x100000xf32, #tpu.memory_space<hbm>> -> memref<1x24704xf32, #tpu.memory_space<hbm>>
      %dma_start3A_142 = tpu.memref_squeeze %dma_start3A_141 : memref<1x24704xf32, #tpu.memory_space<hbm>> -> memref<24704xf32, #tpu.memory_space<hbm>>
      %dma_start3A_143 = arith.constant 75264 : i32
      %dma_start3A_144 = tpu.memref_slice %arg6[%dma_start3A_143] : memref<100000xf32, #tpu.memory_space<vmem>> -> memref<24704xf32, #tpu.memory_space<vmem>>
      %dma_start3A_145 = arith.constant 75264 : i32
      %dma_start3A_146 = tpu.memref_slice %arg2[%add3A_66, %dma_start3A_145] : memref<640x100000xf32, #tpu.memory_space<hbm>> -> memref<1x24704xf32, #tpu.memory_space<hbm>>
      %dma_start3A_147 = tpu.memref_squeeze %dma_start3A_146 : memref<1x24704xf32, #tpu.memory_space<hbm>> -> memref<24704xf32, #tpu.memory_space<hbm>>
      tpu.enqueue_dma source(%dma_start3A_147 : memref<24704xf32, #tpu.memory_space<hbm>>) target(%dma_start3A_144 : memref<24704xf32, #tpu.memory_space<vmem>>) target_semaphore(%arg12 : memref<!tpu.dma_semaphore, #tpu.memory_space<semaphore_mem>>)
      %dma_start3A_148 = arith.constant 0 : i32
      %dma_start3A_149 = tpu.memref_slice %arg3[%add3A_66, %dma_start3A_148] : memref<640x128xf32, #tpu.memory_space<hbm>> -> memref<1x128xf32, #tpu.memory_space<hbm>>
      %dma_start3A_150 = tpu.memref_squeeze %dma_start3A_149 : memref<1x128xf32, #tpu.memory_space<hbm>> -> memref<128xf32, #tpu.memory_space<hbm>>
      %dma_start3A_151 = arith.constant 0 : i32
      %dma_start3A_152 = tpu.memref_slice %arg3[%add3A_66, %dma_start3A_151] : memref<640x128xf32, #tpu.memory_space<hbm>> -> memref<1x128xf32, #tpu.memory_space<hbm>>
      %dma_start3A_153 = tpu.memref_squeeze %dma_start3A_152 : memref<1x128xf32, #tpu.memory_space<hbm>> -> memref<128xf32, #tpu.memory_space<hbm>>
      tpu.enqueue_dma source(%dma_start3A_153 : memref<128xf32, #tpu.memory_space<hbm>>) target(%arg7 : memref<128xf32, #tpu.memory_space<vmem>>) target_semaphore(%arg12 : memref<!tpu.dma_semaphore, #tpu.memory_space<semaphore_mem>>)
      %dma_wait3A_154 = arith.constant 0 : i32
      %dma_wait3A_155 = tpu.memref_slice %arg6[%dma_wait3A_154] : memref<100000xf32, #tpu.memory_space<vmem>> -> memref<25088xf32, #tpu.memory_space<vmem>>
      %dma_wait3A_156 = arith.constant 0 : i32
      %dma_wait3A_157 = tpu.memref_slice %arg2[%add3A_66, %dma_wait3A_156] : memref<640x100000xf32, #tpu.memory_space<hbm>> -> memref<1x25088xf32, #tpu.memory_space<hbm>>
      %dma_wait3A_158 = tpu.memref_squeeze %dma_wait3A_157 : memref<1x25088xf32, #tpu.memory_space<hbm>> -> memref<25088xf32, #tpu.memory_space<hbm>>
      %dma_wait3A_159 = arith.constant 0 : i32
      %dma_wait3A_160 = tpu.memref_slice %arg6[%dma_wait3A_159] : memref<100000xf32, #tpu.memory_space<vmem>> -> memref<25088xf32, #tpu.memory_space<vmem>>
      %dma_wait3A_161 = arith.constant 0 : i32
      %dma_wait3A_162 = tpu.memref_slice %arg2[%add3A_66, %dma_wait3A_161] : memref<640x100000xf32, #tpu.memory_space<hbm>> -> memref<1x25088xf32, #tpu.memory_space<hbm>>
      %dma_wait3A_163 = tpu.memref_squeeze %dma_wait3A_162 : memref<1x25088xf32, #tpu.memory_space<hbm>> -> memref<25088xf32, #tpu.memory_space<hbm>>
      tpu.wait_dma2 semaphore(%arg12 : memref<!tpu.dma_semaphore, #tpu.memory_space<semaphore_mem>>) src(%dma_wait3A_163 : memref<25088xf32, #tpu.memory_space<hbm>>) dst(%dma_wait3A_160 : memref<25088xf32, #tpu.memory_space<vmem>>)
      %dma_wait3A_164 = arith.constant 25088 : i32
      %dma_wait3A_165 = tpu.memref_slice %arg6[%dma_wait3A_164] : memref<100000xf32, #tpu.memory_space<vmem>> -> memref<25088xf32, #tpu.memory_space<vmem>>
      %dma_wait3A_166 = arith.constant 25088 : i32
      %dma_wait3A_167 = tpu.memref_slice %arg2[%add3A_66, %dma_wait3A_166] : memref<640x100000xf32, #tpu.memory_space<hbm>> -> memref<1x25088xf32, #tpu.memory_space<hbm>>
      %dma_wait3A_168 = tpu.memref_squeeze %dma_wait3A_167 : memref<1x25088xf32, #tpu.memory_space<hbm>> -> memref<25088xf32, #tpu.memory_space<hbm>>
      %dma_wait3A_169 = arith.constant 25088 : i32
      %dma_wait3A_170 = tpu.memref_slice %arg6[%dma_wait3A_169] : memref<100000xf32, #tpu.memory_space<vmem>> -> memref<25088xf32, #tpu.memory_space<vmem>>
      %dma_wait3A_171 = arith.constant 25088 : i32
      %dma_wait3A_172 = tpu.memref_slice %arg2[%add3A_66, %dma_wait3A_171] : memref<640x100000xf32, #tpu.memory_space<hbm>> -> memref<1x25088xf32, #tpu.memory_space<hbm>>
      %dma_wait3A_173 = tpu.memref_squeeze %dma_wait3A_172 : memref<1x25088xf32, #tpu.memory_space<hbm>> -> memref<25088xf32, #tpu.memory_space<hbm>>
      tpu.wait_dma2 semaphore(%arg12 : memref<!tpu.dma_semaphore, #tpu.memory_space<semaphore_mem>>) src(%dma_wait3A_173 : memref<25088xf32, #tpu.memory_space<hbm>>) dst(%dma_wait3A_170 : memref<25088xf32, #tpu.memory_space<vmem>>)
      %dma_wait3A_174 = arith.constant 50176 : i32
      %dma_wait3A_175 = tpu.memref_slice %arg6[%dma_wait3A_174] : memref<100000xf32, #tpu.memory_space<vmem>> -> memref<25088xf32, #tpu.memory_space<vmem>>
      %dma_wait3A_176 = arith.constant 50176 : i32
      %dma_wait3A_177 = tpu.memref_slice %arg2[%add3A_66, %dma_wait3A_176] : memref<640x100000xf32, #tpu.memory_space<hbm>> -> memref<1x25088xf32, #tpu.memory_space<hbm>>
      %dma_wait3A_178 = tpu.memref_squeeze %dma_wait3A_177 : memref<1x25088xf32, #tpu.memory_space<hbm>> -> memref<25088xf32, #tpu.memory_space<hbm>>
      %dma_wait3A_179 = arith.constant 50176 : i32
      %dma_wait3A_180 = tpu.memref_slice %arg6[%dma_wait3A_179] : memref<100000xf32, #tpu.memory_space<vmem>> -> memref<25088xf32, #tpu.memory_space<vmem>>
      %dma_wait3A_181 = arith.constant 50176 : i32
      %dma_wait3A_182 = tpu.memref_slice %arg2[%add3A_66, %dma_wait3A_181] : memref<640x100000xf32, #tpu.memory_space<hbm>> -> memref<1x25088xf32, #tpu.memory_space<hbm>>
      %dma_wait3A_183 = tpu.memref_squeeze %dma_wait3A_182 : memref<1x25088xf32, #tpu.memory_space<hbm>> -> memref<25088xf32, #tpu.memory_space<hbm>>
      tpu.wait_dma2 semaphore(%arg12 : memref<!tpu.dma_semaphore, #tpu.memory_space<semaphore_mem>>) src(%dma_wait3A_183 : memref<25088xf32, #tpu.memory_space<hbm>>) dst(%dma_wait3A_180 : memref<25088xf32, #tpu.memory_space<vmem>>)
      %dma_wait3A_184 = arith.constant 75264 : i32
      %dma_wait3A_185 = tpu.memref_slice %arg6[%dma_wait3A_184] : memref<100000xf32, #tpu.memory_space<vmem>> -> memref<24704xf32, #tpu.memory_space<vmem>>
      %dma_wait3A_186 = arith.constant 75264 : i32
      %dma_wait3A_187 = tpu.memref_slice %arg2[%add3A_66, %dma_wait3A_186] : memref<640x100000xf32, #tpu.memory_space<hbm>> -> memref<1x24704xf32, #tpu.memory_space<hbm>>
      %dma_wait3A_188 = tpu.memref_squeeze %dma_wait3A_187 : memref<1x24704xf32, #tpu.memory_space<hbm>> -> memref<24704xf32, #tpu.memory_space<hbm>>
      %dma_wait3A_189 = arith.constant 75264 : i32
      %dma_wait3A_190 = tpu.memref_slice %arg6[%dma_wait3A_189] : memref<100000xf32, #tpu.memory_space<vmem>> -> memref<24704xf32, #tpu.memory_space<vmem>>
      %dma_wait3A_191 = arith.constant 75264 : i32
      %dma_wait3A_192 = tpu.memref_slice %arg2[%add3A_66, %dma_wait3A_191] : memref<640x100000xf32, #tpu.memory_space<hbm>> -> memref<1x24704xf32, #tpu.memory_space<hbm>>
      %dma_wait3A_193 = tpu.memref_squeeze %dma_wait3A_192 : memref<1x24704xf32, #tpu.memory_space<hbm>> -> memref<24704xf32, #tpu.memory_space<hbm>>
      tpu.wait_dma2 semaphore(%arg12 : memref<!tpu.dma_semaphore, #tpu.memory_space<semaphore_mem>>) src(%dma_wait3A_193 : memref<24704xf32, #tpu.memory_space<hbm>>) dst(%dma_wait3A_190 : memref<24704xf32, #tpu.memory_space<vmem>>)
      %dma_wait3A_194 = arith.constant 0 : i32
      %dma_wait3A_195 = tpu.memref_slice %arg3[%add3A_66, %dma_wait3A_194] : memref<640x128xf32, #tpu.memory_space<hbm>> -> memref<1x128xf32, #tpu.memory_space<hbm>>
      %dma_wait3A_196 = tpu.memref_squeeze %dma_wait3A_195 : memref<1x128xf32, #tpu.memory_space<hbm>> -> memref<128xf32, #tpu.memory_space<hbm>>
      %dma_wait3A_197 = arith.constant 0 : i32
      %dma_wait3A_198 = tpu.memref_slice %arg3[%add3A_66, %dma_wait3A_197] : memref<640x128xf32, #tpu.memory_space<hbm>> -> memref<1x128xf32, #tpu.memory_space<hbm>>
      %dma_wait3A_199 = tpu.memref_squeeze %dma_wait3A_198 : memref<1x128xf32, #tpu.memory_space<hbm>> -> memref<128xf32, #tpu.memory_space<hbm>>
      tpu.wait_dma2 semaphore(%arg12 : memref<!tpu.dma_semaphore, #tpu.memory_space<semaphore_mem>>) src(%dma_wait3A_199 : memref<128xf32, #tpu.memory_space<hbm>>) dst(%arg7 : memref<128xf32, #tpu.memory_space<vmem>>)
      %get3A = arith.constant 96 : index
      %get3A_200 = tpu.vector_load %arg7[%get3A] {strides = array<i32>} : memref<128xf32, #tpu.memory_space<vmem>>, vector<16xf32>,
      %swap3A = arith.constant 99968 : index
      %swap3A_201 = tpu.vector_load %arg6[%swap3A] {strides = array<i32>} : memref<100000xf32, #tpu.memory_space<vmem>>, vector<16xf32>,
      tpu.vector_store %arg6[%swap3A], %get3A_200 {strides = array<i32>} : memref<100000xf32, #tpu.memory_space<vmem>>, vector<16xf32>,
      %get3A_202 = arith.constant 112 : index
      %get3A_203 = tpu.vector_load %arg7[%get3A_202] {strides = array<i32>} : memref<128xf32, #tpu.memory_space<vmem>>, vector<16xf32>,
      %swap3A_204 = arith.constant 99984 : index
      %swap3A_205 = tpu.vector_load %arg6[%swap3A_204] {strides = array<i32>} : memref<100000xf32, #tpu.memory_space<vmem>>, vector<16xf32>,
      tpu.vector_store %arg6[%swap3A_204], %get3A_203 {strides = array<i32>} : memref<100000xf32, #tpu.memory_space<vmem>>, vector<16xf32>,
      %scan3A_206 = arith.constant 0 : i32
      %scan3A_207 = arith.constant 0 : i32
      %scan3A_208 = arith.constant 26 : i32
      %scan3A_209 = arith.addi %scan3A_207, %scan3A_208 : i32
      %scan3A_210 = arith.constant 1 : i32
      %scan3A_211 = scf.for %scan3A_214 = %scan3A_207 to %scan3A_209 step %scan3A_210 iter_args(%scan3A_215 = %scan3A_206) -> (i32)  : i32 {
        %rem3A = arith.constant 4 : i32
        %rem3A_216 = arith.remsi %scan3A_214, %rem3A : i32
        %rem3A_217 = arith.constant 4 : i32
        %rem3A_218 = arith.remsi %scan3A_214, %rem3A_217 : i32
        %mul3A_219 = arith.constant 26 : i32
        %mul3A_220 = arith.muli %scan3A_64, %mul3A_219 : i32
        %add3A_221 = arith.addi %mul3A_220, %scan3A_214 : i32
        %dma_wait3A_222 = arith.constant 0 : i32
        %dma_wait3A_223 = tpu.memref_slice %arg8[%rem3A_216, %dma_wait3A_222] : memref<4x1024xi32, #tpu.memory_space<vmem>> -> memref<1x1024xi32, #tpu.memory_space<vmem>>
        %dma_wait3A_224 = tpu.memref_squeeze %dma_wait3A_223 : memref<1x1024xi32, #tpu.memory_space<vmem>> -> memref<1024xi32, #tpu.memory_space<vmem>>
        %dma_wait3A_225 = arith.constant 0 : i32
        %dma_wait3A_226 = tpu.memref_slice %arg4[%scan3A_214, %dma_wait3A_225] : memref<26x1024xi32, #tpu.memory_space<hbm>> -> memref<1x1024xi32, #tpu.memory_space<hbm>>
        %dma_wait3A_227 = tpu.memref_squeeze %dma_wait3A_226 : memref<1x1024xi32, #tpu.memory_space<hbm>> -> memref<1024xi32, #tpu.memory_space<hbm>>
        %dma_wait3A_228 = arith.constant 0 : i32
        %dma_wait3A_229 = tpu.memref_slice %arg8[%rem3A_216, %dma_wait3A_228] : memref<4x1024xi32, #tpu.memory_space<vmem>> -> memref<1x1024xi32, #tpu.memory_space<vmem>>
        %dma_wait3A_230 = tpu.memref_squeeze %dma_wait3A_229 : memref<1x1024xi32, #tpu.memory_space<vmem>> -> memref<1024xi32, #tpu.memory_space<vmem>>
        %dma_wait3A_231 = arith.constant 0 : i32
        %dma_wait3A_232 = tpu.memref_slice %arg4[%scan3A_214, %dma_wait3A_231] : memref<26x1024xi32, #tpu.memory_space<hbm>> -> memref<1x1024xi32, #tpu.memory_space<hbm>>
        %dma_wait3A_233 = tpu.memref_squeeze %dma_wait3A_232 : memref<1x1024xi32, #tpu.memory_space<hbm>> -> memref<1024xi32, #tpu.memory_space<hbm>>
        tpu.wait_dma2 semaphore(%arg10 : memref<!tpu.dma_semaphore, #tpu.memory_space<semaphore_mem>>) src(%dma_wait3A_233 : memref<1024xi32, #tpu.memory_space<hbm>>) dst(%dma_wait3A_230 : memref<1024xi32, #tpu.memory_space<vmem>>)
        %lt3A = arith.constant 23 : i32
        %lt3A_234 = arith.cmpi slt, %scan3A_214, %lt3A : i32
        %convert_element_type3A = arith.extui %lt3A_234 : i1 to i32
        %cond3A = arith.constant 0 : i32
        %cond3A_235 = arith.cmpi ne, %convert_element_type3A, %cond3A : i32
        scf.if %cond3A_235 {
          %add3A_260 = arith.constant 3 : i32
          %add3A_261 = arith.addi %scan3A_214, %add3A_260 : i32
          %add3A_262 = arith.constant 3 : i32
          %add3A_263 = arith.addi %scan3A_214, %add3A_262 : i32
          %rem3A_264 = arith.constant 4 : i32
          %rem3A_265 = arith.remsi %add3A_263, %rem3A_264 : i32
          %dma_start3A_266 = arith.constant 0 : i32
          %dma_start3A_267 = tpu.memref_slice %arg8[%rem3A_265, %dma_start3A_266] : memref<4x1024xi32, #tpu.memory_space<vmem>> -> memref<1x1024xi32, #tpu.memory_space<vmem>>
          %dma_start3A_268 = tpu.memref_squeeze %dma_start3A_267 : memref<1x1024xi32, #tpu.memory_space<vmem>> -> memref<1024xi32, #tpu.memory_space<vmem>>
          %dma_start3A_269 = arith.constant 0 : i32
          %dma_start3A_270 = tpu.memref_slice %arg4[%add3A_261, %dma_start3A_269] : memref<26x1024xi32, #tpu.memory_space<hbm>> -> memref<1x1024xi32, #tpu.memory_space<hbm>>
          %dma_start3A_271 = tpu.memref_squeeze %dma_start3A_270 : memref<1x1024xi32, #tpu.memory_space<hbm>> -> memref<1024xi32, #tpu.memory_space<hbm>>
          %dma_start3A_272 = arith.constant 0 : i32
          %dma_start3A_273 = tpu.memref_slice %arg8[%rem3A_265, %dma_start3A_272] : memref<4x1024xi32, #tpu.memory_space<vmem>> -> memref<1x1024xi32, #tpu.memory_space<vmem>>
          %dma_start3A_274 = tpu.memref_squeeze %dma_start3A_273 : memref<1x1024xi32, #tpu.memory_space<vmem>> -> memref<1024xi32, #tpu.memory_space<vmem>>
          %dma_start3A_275 = arith.constant 0 : i32
          %dma_start3A_276 = tpu.memref_slice %arg4[%add3A_261, %dma_start3A_275] : memref<26x1024xi32, #tpu.memory_space<hbm>> -> memref<1x1024xi32, #tpu.memory_space<hbm>>
          %dma_start3A_277 = tpu.memref_squeeze %dma_start3A_276 : memref<1x1024xi32, #tpu.memory_space<hbm>> -> memref<1024xi32, #tpu.memory_space<hbm>>
          tpu.enqueue_dma source(%dma_start3A_277 : memref<1024xi32, #tpu.memory_space<hbm>>) target(%dma_start3A_274 : memref<1024xi32, #tpu.memory_space<vmem>>) target_semaphore(%arg10 : memref<!tpu.dma_semaphore, #tpu.memory_space<semaphore_mem>>)
        } else {
        }
        %ge3A = arith.constant 4 : i32
        %ge3A_236 = arith.cmpi sge, %add3A_221, %ge3A : i32
        %convert_element_type3A_237 = arith.extui %ge3A_236 : i1 to i32
        %cond3A_238 = arith.constant 0 : i32
        %cond3A_239 = arith.cmpi ne, %convert_element_type3A_237, %cond3A_238 : i32
        scf.if %cond3A_239 {
          %dma_wait3A_260 = arith.constant 0 : i32
          %dma_wait3A_261 = tpu.memref_slice %arg9[%rem3A_218, %dma_wait3A_260] : memref<4x1024xf32, #tpu.memory_space<vmem>> -> memref<1x1024xf32, #tpu.memory_space<vmem>>
          %dma_wait3A_262 = tpu.memref_squeeze %dma_wait3A_261 : memref<1x1024xf32, #tpu.memory_space<vmem>> -> memref<1024xf32, #tpu.memory_space<vmem>>
          %dma_wait3A_263 = arith.constant 0 : i32
          %dma_wait3A_264 = tpu.memref_slice %arg5[%scan3A_214, %add3A_66, %dma_wait3A_263] : memref<26x640x1024xf32, #tpu.memory_space<hbm>> -> memref<1x1x1024xf32, #tpu.memory_space<hbm>>
          %dma_wait3A_265 = tpu.memref_squeeze %dma_wait3A_264 : memref<1x1x1024xf32, #tpu.memory_space<hbm>> -> memref<1024xf32, #tpu.memory_space<hbm>>
          %dma_wait3A_266 = arith.constant 0 : i32
          %dma_wait3A_267 = tpu.memref_slice %arg5[%scan3A_214, %add3A_66, %dma_wait3A_266] : memref<26x640x1024xf32, #tpu.memory_space<hbm>> -> memref<1x1x1024xf32, #tpu.memory_space<hbm>>
          %dma_wait3A_268 = tpu.memref_squeeze %dma_wait3A_267 : memref<1x1x1024xf32, #tpu.memory_space<hbm>> -> memref<1024xf32, #tpu.memory_space<hbm>>
          %dma_wait3A_269 = arith.constant 0 : i32
          %dma_wait3A_270 = tpu.memref_slice %arg9[%rem3A_218, %dma_wait3A_269] : memref<4x1024xf32, #tpu.memory_space<vmem>> -> memref<1x1024xf32, #tpu.memory_space<vmem>>
          %dma_wait3A_271 = tpu.memref_squeeze %dma_wait3A_270 : memref<1x1024xf32, #tpu.memory_space<vmem>> -> memref<1024xf32, #tpu.memory_space<vmem>>
          tpu.wait_dma2 semaphore(%arg11 : memref<!tpu.dma_semaphore, #tpu.memory_space<semaphore_mem>>) src(%dma_wait3A_271 : memref<1024xf32, #tpu.memory_space<vmem>>) dst(%dma_wait3A_268 : memref<1024xf32, #tpu.memory_space<hbm>>)
        } else {
        }
        %scan3A_240 = arith.constant 0 : i32
        %scan3A_241 = arith.constant 0 : i32
        %scan3A_242 = arith.constant 16 : i32
        %scan3A_243 = arith.addi %scan3A_241, %scan3A_242 : i32
        %scan3A_244 = arith.constant 1 : i32
        %scan3A_245 = scf.for %scan3A_260 = %scan3A_241 to %scan3A_243 step %scan3A_244 iter_args(%scan3A_261 = %scan3A_240) -> (i32)  : i32 {
          %mul3A_262 = arith.constant 64 : i32
          %mul3A_263 = arith.muli %scan3A_260, %mul3A_262 : i32
          %get3A_264 = arith.index_cast %rem3A_216 : i32 to index
          %get3A_265 = arith.index_cast %mul3A_263 : i32 to index
          %get3A_266 = tpu.vector_load %arg8[%get3A_264, %get3A_265] {strides = array<i32>} : memref<4x1024xi32, #tpu.memory_space<vmem>>, vector<16xi32>,
          %add3A_267 = arith.constant 16 : i32
          %add3A_268 = arith.addi %mul3A_263, %add3A_267 : i32
          %get3A_269 = arith.index_cast %rem3A_216 : i32 to index
          %get3A_270 = arith.index_cast %add3A_268 : i32 to index
          %get3A_271 = tpu.vector_load %arg8[%get3A_269, %get3A_270] {strides = array<i32>} : memref<4x1024xi32, #tpu.memory_space<vmem>>, vector<16xi32>,
          %add3A_272 = arith.constant 32 : i32
          %add3A_273 = arith.addi %mul3A_263, %add3A_272 : i32
          %get3A_274 = arith.index_cast %rem3A_216 : i32 to index
          %get3A_275 = arith.index_cast %add3A_273 : i32 to index
          %get3A_276 = tpu.vector_load %arg8[%get3A_274, %get3A_275] {strides = array<i32>} : memref<4x1024xi32, #tpu.memory_space<vmem>>, vector<16xi32>,
          %add3A_277 = arith.constant 48 : i32
          %add3A_278 = arith.addi %mul3A_263, %add3A_277 : i32
          %get3A_279 = arith.index_cast %rem3A_216 : i32 to index
          %get3A_280 = arith.index_cast %add3A_278 : i32 to index
          %get3A_281 = tpu.vector_load %arg8[%get3A_279, %get3A_280] {strides = array<i32>} : memref<4x1024xi32, #tpu.memory_space<vmem>>, vector<16xi32>,
          %gather3A = tpu.vector_load_idx %arg6[%get3A_266] : memref<100000xf32, #tpu.memory_space<vmem>>[vector<16xi32>], vector<16xf32>,
          %gather3A_282 = tpu.vector_load_idx %arg6[%get3A_271] : memref<100000xf32, #tpu.memory_space<vmem>>[vector<16xi32>], vector<16xf32>,
          %gather3A_283 = tpu.vector_load_idx %arg6[%get3A_276] : memref<100000xf32, #tpu.memory_space<vmem>>[vector<16xi32>], vector<16xf32>,
          %gather3A_284 = tpu.vector_load_idx %arg6[%get3A_281] : memref<100000xf32, #tpu.memory_space<vmem>>[vector<16xi32>], vector<16xf32>,
          %swap3A_285 = arith.index_cast %rem3A_218 : i32 to index
          %swap3A_286 = arith.index_cast %mul3A_263 : i32 to index
          %swap3A_287 = tpu.vector_load %arg9[%swap3A_285, %swap3A_286] {strides = array<i32>} : memref<4x1024xf32, #tpu.memory_space<vmem>>, vector<16xf32>,
          tpu.vector_store %arg9[%swap3A_285, %swap3A_286], %gather3A {strides = array<i32>} : memref<4x1024xf32, #tpu.memory_space<vmem>>, vector<16xf32>,
          %add3A_288 = arith.constant 16 : i32
          %add3A_289 = arith.addi %mul3A_263, %add3A_288 : i32
          %swap3A_290 = arith.index_cast %rem3A_218 : i32 to index
          %swap3A_291 = arith.index_cast %add3A_289 : i32 to index
          %swap3A_292 = tpu.vector_load %arg9[%swap3A_290, %swap3A_291] {strides = array<i32>} : memref<4x1024xf32, #tpu.memory_space<vmem>>, vector<16xf32>,
          tpu.vector_store %arg9[%swap3A_290, %swap3A_291], %gather3A_282 {strides = array<i32>} : memref<4x1024xf32, #tpu.memory_space<vmem>>, vector<16xf32>,
          %add3A_293 = arith.constant 32 : i32
          %add3A_294 = arith.addi %mul3A_263, %add3A_293 : i32
          %swap3A_295 = arith.index_cast %rem3A_218 : i32 to index
          %swap3A_296 = arith.index_cast %add3A_294 : i32 to index
          %swap3A_297 = tpu.vector_load %arg9[%swap3A_295, %swap3A_296] {strides = array<i32>} : memref<4x1024xf32, #tpu.memory_space<vmem>>, vector<16xf32>,
          tpu.vector_store %arg9[%swap3A_295, %swap3A_296], %gather3A_283 {strides = array<i32>} : memref<4x1024xf32, #tpu.memory_space<vmem>>, vector<16xf32>,
          %add3A_298 = arith.constant 48 : i32
          %add3A_299 = arith.addi %mul3A_263, %add3A_298 : i32
          %swap3A_300 = arith.index_cast %rem3A_218 : i32 to index
          %swap3A_301 = arith.index_cast %add3A_299 : i32 to index
          %swap3A_302 = tpu.vector_load %arg9[%swap3A_300, %swap3A_301] {strides = array<i32>} : memref<4x1024xf32, #tpu.memory_space<vmem>>, vector<16xf32>,
          tpu.vector_store %arg9[%swap3A_300, %swap3A_301], %gather3A_284 {strides = array<i32>} : memref<4x1024xf32, #tpu.memory_space<vmem>>, vector<16xf32>,
          %scan3A_303 = arith.constant 0 : i32
          scf.yield %scan3A_303 : i32
        }
        %scan3A_246 = arith.constant 16 : i32
        %dma_start3A_247 = arith.constant 0 : i32
        %dma_start3A_248 = tpu.memref_slice %arg9[%rem3A_218, %dma_start3A_247] : memref<4x1024xf32, #tpu.memory_space<vmem>> -> memref<1x1024xf32, #tpu.memory_space<vmem>>
        %dma_start3A_249 = tpu.memref_squeeze %dma_start3A_248 : memref<1x1024xf32, #tpu.memory_space<vmem>> -> memref<1024xf32, #tpu.memory_space<vmem>>
        %dma_start3A_250 = arith.constant 0 : i32
        %dma_start3A_251 = tpu.memref_slice %arg5[%scan3A_214, %add3A_66, %dma_start3A_250] : memref<26x640x1024xf32, #tpu.memory_space<hbm>> -> memref<1x1x1024xf32, #tpu.memory_space<hbm>>
        %dma_start3A_252 = tpu.memref_squeeze %dma_start3A_251 : memref<1x1x1024xf32, #tpu.memory_space<hbm>> -> memref<1024xf32, #tpu.memory_space<hbm>>
        %dma_start3A_253 = arith.constant 0 : i32
        %dma_start3A_254 = tpu.memref_slice %arg5[%scan3A_214, %add3A_66, %dma_start3A_253] : memref<26x640x1024xf32, #tpu.memory_space<hbm>> -> memref<1x1x1024xf32, #tpu.memory_space<hbm>>
        %dma_start3A_255 = tpu.memref_squeeze %dma_start3A_254 : memref<1x1x1024xf32, #tpu.memory_space<hbm>> -> memref<1024xf32, #tpu.memory_space<hbm>>
        %dma_start3A_256 = arith.constant 0 : i32
        %dma_start3A_257 = tpu.memref_slice %arg9[%rem3A_218, %dma_start3A_256] : memref<4x1024xf32, #tpu.memory_space<vmem>> -> memref<1x1024xf32, #tpu.memory_space<vmem>>
        %dma_start3A_258 = tpu.memref_squeeze %dma_start3A_257 : memref<1x1024xf32, #tpu.memory_space<vmem>> -> memref<1024xf32, #tpu.memory_space<vmem>>
        tpu.enqueue_dma source(%dma_start3A_258 : memref<1024xf32, #tpu.memory_space<vmem>>) target(%dma_start3A_255 : memref<1024xf32, #tpu.memory_space<hbm>>) target_semaphore(%arg11 : memref<!tpu.dma_semaphore, #tpu.memory_space<semaphore_mem>>)
        %scan3A_259 = arith.constant 0 : i32
        scf.yield %scan3A_259 : i32
      }
      %scan3A_212 = arith.constant 26 : i32
      %scan3A_213 = arith.constant 0 : i32
      scf.yield %scan3A_213 : i32
    }
    %scan3A_8 = arith.constant 20 : i32
    %dma_wait3A = arith.constant 0 : i32
    %dma_wait3A_9 = arith.constant 0 : i32
    %dma_wait3A_10 = arith.constant 0 : i32
    %dma_wait3A_11 = tpu.memref_slice %arg9[%dma_wait3A, %dma_wait3A_10] : memref<4x1024xf32, #tpu.memory_space<vmem>> -> memref<1x1024xf32, #tpu.memory_space<vmem>>
    %dma_wait3A_12 = tpu.memref_squeeze %dma_wait3A_11 : memref<1x1024xf32, #tpu.memory_space<vmem>> -> memref<1024xf32, #tpu.memory_space<vmem>>
    %dma_wait3A_13 = arith.constant 0 : i32
    %dma_wait3A_14 = tpu.memref_slice %arg5[%dma_wait3A_9, %mul3A_2, %dma_wait3A_13] : memref<26x640x1024xf32, #tpu.memory_space<hbm>> -> memref<1x1x1024xf32, #tpu.memory_space<hbm>>
    %dma_wait3A_15 = tpu.memref_squeeze %dma_wait3A_14 : memref<1x1x1024xf32, #tpu.memory_space<hbm>> -> memref<1024xf32, #tpu.memory_space<hbm>>
    %dma_wait3A_16 = arith.constant 0 : i32
    %dma_wait3A_17 = tpu.memref_slice %arg5[%dma_wait3A_9, %mul3A_2, %dma_wait3A_16] : memref<26x640x1024xf32, #tpu.memory_space<hbm>> -> memref<1x1x1024xf32, #tpu.memory_space<hbm>>
    %dma_wait3A_18 = tpu.memref_squeeze %dma_wait3A_17 : memref<1x1x1024xf32, #tpu.memory_space<hbm>> -> memref<1024xf32, #tpu.memory_space<hbm>>
    %dma_wait3A_19 = arith.constant 0 : i32
    %dma_wait3A_20 = tpu.memref_slice %arg9[%dma_wait3A, %dma_wait3A_19] : memref<4x1024xf32, #tpu.memory_space<vmem>> -> memref<1x1024xf32, #tpu.memory_space<vmem>>
    %dma_wait3A_21 = tpu.memref_squeeze %dma_wait3A_20 : memref<1x1024xf32, #tpu.memory_space<vmem>> -> memref<1024xf32, #tpu.memory_space<vmem>>
    tpu.wait_dma2 semaphore(%arg11 : memref<!tpu.dma_semaphore, #tpu.memory_space<semaphore_mem>>) src(%dma_wait3A_21 : memref<1024xf32, #tpu.memory_space<vmem>>) dst(%dma_wait3A_18 : memref<1024xf32, #tpu.memory_space<hbm>>)
    %dma_wait3A_22 = arith.constant 1 : i32
    %dma_wait3A_23 = arith.constant 1 : i32
    %dma_wait3A_24 = arith.constant 0 : i32
    %dma_wait3A_25 = tpu.memref_slice %arg9[%dma_wait3A_22, %dma_wait3A_24] : memref<4x1024xf32, #tpu.memory_space<vmem>> -> memref<1x1024xf32, #tpu.memory_space<vmem>>
    %dma_wait3A_26 = tpu.memref_squeeze %dma_wait3A_25 : memref<1x1024xf32, #tpu.memory_space<vmem>> -> memref<1024xf32, #tpu.memory_space<vmem>>
    %dma_wait3A_27 = arith.constant 0 : i32
    %dma_wait3A_28 = tpu.memref_slice %arg5[%dma_wait3A_23, %mul3A_2, %dma_wait3A_27] : memref<26x640x1024xf32, #tpu.memory_space<hbm>> -> memref<1x1x1024xf32, #tpu.memory_space<hbm>>
    %dma_wait3A_29 = tpu.memref_squeeze %dma_wait3A_28 : memref<1x1x1024xf32, #tpu.memory_space<hbm>> -> memref<1024xf32, #tpu.memory_space<hbm>>
    %dma_wait3A_30 = arith.constant 0 : i32
    %dma_wait3A_31 = tpu.memref_slice %arg5[%dma_wait3A_23, %mul3A_2, %dma_wait3A_30] : memref<26x640x1024xf32, #tpu.memory_space<hbm>> -> memref<1x1x1024xf32, #tpu.memory_space<hbm>>
    %dma_wait3A_32 = tpu.memref_squeeze %dma_wait3A_31 : memref<1x1x1024xf32, #tpu.memory_space<hbm>> -> memref<1024xf32, #tpu.memory_space<hbm>>
    %dma_wait3A_33 = arith.constant 0 : i32
    %dma_wait3A_34 = tpu.memref_slice %arg9[%dma_wait3A_22, %dma_wait3A_33] : memref<4x1024xf32, #tpu.memory_space<vmem>> -> memref<1x1024xf32, #tpu.memory_space<vmem>>
    %dma_wait3A_35 = tpu.memref_squeeze %dma_wait3A_34 : memref<1x1024xf32, #tpu.memory_space<vmem>> -> memref<1024xf32, #tpu.memory_space<vmem>>
    tpu.wait_dma2 semaphore(%arg11 : memref<!tpu.dma_semaphore, #tpu.memory_space<semaphore_mem>>) src(%dma_wait3A_35 : memref<1024xf32, #tpu.memory_space<vmem>>) dst(%dma_wait3A_32 : memref<1024xf32, #tpu.memory_space<hbm>>)
    %dma_wait3A_36 = arith.constant 2 : i32
    %dma_wait3A_37 = arith.constant 2 : i32
    %dma_wait3A_38 = arith.constant 0 : i32
    %dma_wait3A_39 = tpu.memref_slice %arg9[%dma_wait3A_36, %dma_wait3A_38] : memref<4x1024xf32, #tpu.memory_space<vmem>> -> memref<1x1024xf32, #tpu.memory_space<vmem>>
    %dma_wait3A_40 = tpu.memref_squeeze %dma_wait3A_39 : memref<1x1024xf32, #tpu.memory_space<vmem>> -> memref<1024xf32, #tpu.memory_space<vmem>>
    %dma_wait3A_41 = arith.constant 0 : i32
    %dma_wait3A_42 = tpu.memref_slice %arg5[%dma_wait3A_37, %mul3A_2, %dma_wait3A_41] : memref<26x640x1024xf32, #tpu.memory_space<hbm>> -> memref<1x1x1024xf32, #tpu.memory_space<hbm>>
    %dma_wait3A_43 = tpu.memref_squeeze %dma_wait3A_42 : memref<1x1x1024xf32, #tpu.memory_space<hbm>> -> memref<1024xf32, #tpu.memory_space<hbm>>
    %dma_wait3A_44 = arith.constant 0 : i32
    %dma_wait3A_45 = tpu.memref_slice %arg5[%dma_wait3A_37, %mul3A_2, %dma_wait3A_44] : memref<26x640x1024xf32, #tpu.memory_space<hbm>> -> memref<1x1x1024xf32, #tpu.memory_space<hbm>>
    %dma_wait3A_46 = tpu.memref_squeeze %dma_wait3A_45 : memref<1x1x1024xf32, #tpu.memory_space<hbm>> -> memref<1024xf32, #tpu.memory_space<hbm>>
    %dma_wait3A_47 = arith.constant 0 : i32
    %dma_wait3A_48 = tpu.memref_slice %arg9[%dma_wait3A_36, %dma_wait3A_47] : memref<4x1024xf32, #tpu.memory_space<vmem>> -> memref<1x1024xf32, #tpu.memory_space<vmem>>
    %dma_wait3A_49 = tpu.memref_squeeze %dma_wait3A_48 : memref<1x1024xf32, #tpu.memory_space<vmem>> -> memref<1024xf32, #tpu.memory_space<vmem>>
    tpu.wait_dma2 semaphore(%arg11 : memref<!tpu.dma_semaphore, #tpu.memory_space<semaphore_mem>>) src(%dma_wait3A_49 : memref<1024xf32, #tpu.memory_space<vmem>>) dst(%dma_wait3A_46 : memref<1024xf32, #tpu.memory_space<hbm>>)
    %dma_wait3A_50 = arith.constant 3 : i32
    %dma_wait3A_51 = arith.constant 3 : i32
    %dma_wait3A_52 = arith.constant 0 : i32
    %dma_wait3A_53 = tpu.memref_slice %arg9[%dma_wait3A_50, %dma_wait3A_52] : memref<4x1024xf32, #tpu.memory_space<vmem>> -> memref<1x1024xf32, #tpu.memory_space<vmem>>
    %dma_wait3A_54 = tpu.memref_squeeze %dma_wait3A_53 : memref<1x1024xf32, #tpu.memory_space<vmem>> -> memref<1024xf32, #tpu.memory_space<vmem>>
    %dma_wait3A_55 = arith.constant 0 : i32
    %dma_wait3A_56 = tpu.memref_slice %arg5[%dma_wait3A_51, %mul3A_2, %dma_wait3A_55] : memref<26x640x1024xf32, #tpu.memory_space<hbm>> -> memref<1x1x1024xf32, #tpu.memory_space<hbm>>
    %dma_wait3A_57 = tpu.memref_squeeze %dma_wait3A_56 : memref<1x1x1024xf32, #tpu.memory_space<hbm>> -> memref<1024xf32, #tpu.memory_space<hbm>>
    %dma_wait3A_58 = arith.constant 0 : i32
    %dma_wait3A_59 = tpu.memref_slice %arg5[%dma_wait3A_51, %mul3A_2, %dma_wait3A_58] : memref<26x640x1024xf32, #tpu.memory_space<hbm>> -> memref<1x1x1024xf32, #tpu.memory_space<hbm>>
    %dma_wait3A_60 = tpu.memref_squeeze %dma_wait3A_59 : memref<1x1x1024xf32, #tpu.memory_space<hbm>> -> memref<1024xf32, #tpu.memory_space<hbm>>
    %dma_wait3A_61 = arith.constant 0 : i32
    %dma_wait3A_62 = tpu.memref_slice %arg9[%dma_wait3A_50, %dma_wait3A_61] : memref<4x1024xf32, #tpu.memory_space<vmem>> -> memref<1x1024xf32, #tpu.memory_space<vmem>>
    %dma_wait3A_63 = tpu.memref_squeeze %dma_wait3A_62 : memref<1x1024xf32, #tpu.memory_space<vmem>> -> memref<1024xf32, #tpu.memory_space<vmem>>
    tpu.wait_dma2 semaphore(%arg11 : memref<!tpu.dma_semaphore, #tpu.memory_space<semaphore_mem>>) src(%dma_wait3A_63 : memref<1024xf32, #tpu.memory_space<vmem>>) dst(%dma_wait3A_60 : memref<1024xf32, #tpu.memory_space<hbm>>)
    return
  }
}

</mosaic_0001>

<sc_bundles>
// kernel: kernel.3.cloned.1.call-start
scs
__scs_entry_jumppad:
0x0: {  	(pc) =	sbr.rel $0x88, $3  }
0x1: {  	(tag) =	ssettag $0x0;
	lr =	simm.s32 $0x1  }
0x2: {  	[smem:$0x3F9F] =	sst lr;
	_ =	strace $0xD0000000  }
0x3: {  	_ = 	snop  }
0x4: {  	_ = 	snop  }
0x5: {  	_ = 	snop  }
0x6: {  	_ = 	snop  }
0x7: {  	_ = 	snop  }
__scs_overlays_trampoline_lowered:
0x8: {  	[smem:$0x3FAE] =	sst s0  }
0x9: {  	[smem:$0x3FAF] =	sst s1  }
0xa: {  	[smem:$0x3FB0] =	sst s2  }
0xb: {  	[smem:$0x3FB1] =	sst s3  }
0xc: {  	[smem:$0x3FB2] =	sst s4  }
0xd: {  	[smem:$0x3FB3] =	sst s5  }
0xe: {  	[smem:$0x3FB4] =	sst s6  }
0xf: {  	[smem:$0x3FB5] =	sst s7  }
0x10: {  	[smem:$0x3FB6] =	sst s8  }
0x11: {  	[smem:$0x3FB7] =	sst s9;
	s0 =	simm.s32 @!p0 $0x0  }
0x12: {  	s1 =	sld [smem:$0x3F9D];
	s0 =	simm.s32 @p0 $0x1  }
0x13: {  	[smem:$0x3FB8] =	sst s0;
	s0 =	simm.s32 @!p1 $0x0  }
0x14: {  	s2 =	sld [smem:$0x3F9C];
	s0 =	simm.s32 @p1 $0x1  }
0x15: {  	[smem:$0x3FB9] =	sst s0;
	s0 =	simm.s32 @!p2 $0x0  }
0x16: {  	s3 =	sld [smem:$0x3FDB];
	s0 =	simm.s32 @p2 $0x1  }
0x17: {  	s4 =	simm.s32 $0x1BF5;
	[smem:$0x3FBB] =	sst s0  }
0x18: {  	s0 =	sld [smem:$0x3F9E];
	_ =	swait.ge [sflag:s4], $0x0  }
0x19: {  	s7 =	sld [smem:$0x3F9F]  }
0x1a: {  	s8 =	sadd.s32 $0xFFFFE003, lr  }
0x1b: {  	s9 =	sadd.s32 $0xFFFFFEF7, lr;
	s5 =	simm.s32 $0xFFFFFFFF;
	p2 =	slt.u32 s8, $0xFFFFF086  }
0x1c: {  	p1 =	slt.u32 s9, $0xF7A;
	s5 =	simm.s32 @!p2 $0x0  }
0x1d: {  	s5 =	simm.s32 @p1 $0x1;
	p0 =	seq.s32 s7, s2  }
0x1e: {  	s7 =	smul.u32 @!p0 $0xF7A, s2;
	p2 =	seq.s32 @!p0 s5, $0x0  }
0x1f: {  	s9 =	smul.u32 $0xF7A, s1;
	s8 =	simm.s32 @!p0 $0x1BF5;
	p2 =	por !p2, p0  }
0x20: {  	[sflag:s8] =	ssyncset.s32 @!p0 $0xFFFFF086;
	s6 =	sadd.s32 @!p0 s3, s7;
	s7 =	simm.s32 @!p0 $0x108  }
0x21: {  	s3 =	sadd.s32 s3, s9;
	s6 =	sadd.s32 @!p0 $0x88, s6;
	s7 =	simm.s32 @p2 $0x1082  }
0x22: {  	[simem:s7], [sflag:s8] =	dma.local @!p0 [hbm:s6], $0xF7A  }
0x23: {  	s9 =	sor.u32 $0xD0000000, s2;
	s6 =	simm.s32 $0x108;
	_ =	swait.ge @!p0 [sflag:s8], $0x0  }
0x24: {  	s3 =	sadd.s32 $0x88, s3;
	s6 =	simm.s32 @!p1 $0x1082;
	[sflag:s4] =	ssyncset.s32 $0xFFFFF086  }
0x25: {  	[simem:s6], [sflag:s4] =	dma.local [hbm:s3], $0xF7A  }
0x26: {  	[smem:$0x3F9F] =	sst s1;
	(tag) =	ssettag s2;
	_ =	strace s9  }
0x27: {  	s1 =	sld [smem:$0x3FAF]  }
0x28: {  	s2 =	sld [smem:$0x3FB0]  }
0x29: {  	s4 =	sld [smem:$0x3FB2]  }
0x2a: {  	p0 =	seq.s32 s5, $0x0;
	s5 =	sld [smem:$0x3FB3]  }
0x2b: {  	s6 =	sld [smem:$0x3FB4]  }
0x2c: {  	s7 =	sld [smem:$0x3FB5]  }
0x2d: {  	s3 =	simm.s32 $0x108;
	s8 =	sld [smem:$0x3FB6]  }
0x2e: {  	s3 =	simm.s32 @!p0 $0x1082;
	s9 =	sld [smem:$0x3FB7]  }
0x2f: {  	lr =	sadd.s32 s0, s3;
	s0 =	sld [smem:$0x3FAE]  }
0x30: {  	s3 =	sld [smem:$0x3FB1]  }
0x31: {  	[smem:$0x3FBA] =	sst s10  }
0x32: {  	s10 =	sld [smem:$0x3FB8];
	_ =	sdelay $0x3  }
0x33: {  	p0 =	seq.s32 s10, $0x1;
	s10 =	sld [smem:$0x3FBA];
	_ =	sdelay $0x3  }
0x34: {  	[smem:$0x3FBA] =	sst s10  }
0x35: {  	s10 =	sld [smem:$0x3FB9];
	_ =	sdelay $0x3  }
0x36: {  	p1 =	seq.s32 s10, $0x1;
	s10 =	sld [smem:$0x3FBA];
	_ =	sdelay $0x3  }
0x37: {  	[smem:$0x3FBA] =	sst s10  }
0x38: {  	s10 =	sld [smem:$0x3FBB]  }
0x39: {  	_ = 	snop;
	(pc) =	sbr.ind lr, $3  }
0x3a: {  	_ = 	snop  }
0x3b: {  	_ = 	snop  }
0x3c: {  	p2 =	seq.s32 s10, $0x1;
	s10 =	sld [smem:$0x3FBA]  }
0x3d: {  	_ =	shalt  }
0x3e: {  	_ =	shalt  }
0x3f: {  	_ =	shalt  }
0x40: {  	_ =	shalt  }
0x41: {  	_ =	shalt  }
0x42: {  	_ =	shalt  }
0x43: {  	_ =	shalt  }
0x44: {  	_ =	shalt  }
0x45: {  	_ =	shalt  }
0x46: {  	_ =	shalt  }
0x47: {  	_ =	shalt  }
0x48: {  	_ =	shalt  }
0x49: {  	_ =	shalt  }
0x4a: {  	_ =	shalt  }
0x4b: {  	_ =	shalt  }
0x4c: {  	_ =	shalt  }
0x4d: {  	_ =	shalt  }
0x4e: {  	_ =	shalt  }
0x4f: {  	_ =	shalt  }
0x50: {  	_ =	shalt  }
0x51: {  	_ =	shalt  }
0x52: {  	_ =	shalt  }
0x53: {  	_ =	shalt  }
0x54: {  	_ =	shalt  }
0x55: {  	_ =	shalt  }
0x56: {  	_ =	shalt  }
0x57: {  	_ =	shalt  }
0x58: {  	_ =	shalt  }
0x59: {  	_ =	shalt  }
0x5a: {  	_ =	shalt  }
0x5b: {  	_ =	shalt  }
0x5c: {  	_ =	shalt  }
0x5d: {  	_ =	shalt  }
0x5e: {  	_ =	shalt  }
0x5f: {  	_ =	shalt  }
0x60: {  	_ =	shalt  }
0x61: {  	_ =	shalt  }
0x62: {  	_ =	shalt  }
0x63: {  	_ =	shalt  }
0x64: {  	_ =	shalt  }
0x65: {  	_ =	shalt  }
0x66: {  	_ =	shalt  }
0x67: {  	_ =	shalt  }
0x68: {  	_ =	shalt  }
0x69: {  	_ =	shalt  }
0x6a: {  	_ =	shalt  }
0x6b: {  	_ =	shalt  }
0x6c: {  	_ =	shalt  }
0x6d: {  	_ =	shalt  }
0x6e: {  	_ =	shalt  }
0x6f: {  	_ =	shalt  }
0x70: {  	_ =	shalt  }
0x71: {  	_ =	shalt  }
0x72: {  	_ =	shalt  }
0x73: {  	_ =	shalt  }
0x74: {  	_ =	shalt  }
0x75: {  	_ =	shalt  }
0x76: {  	_ =	shalt  }
0x77: {  	_ =	shalt  }
0x78: {  	_ =	shalt  }
0x79: {  	_ =	shalt  }
0x7a: {  	_ =	shalt  }
0x7b: {  	_ =	shalt  }
0x7c: {  	_ =	shalt  }
0x7d: {  	_ =	shalt  }
0x7e: {  	_ =	shalt  }
0x7f: {  	_ =	shalt  }
0x80: {  	_ =	shalt  }
0x81: {  	_ =	shalt  }
0x82: {  	_ =	shalt  }
0x83: {  	_ =	shalt  }
0x84: {  	_ =	shalt  }
0x85: {  	_ =	shalt  }
0x86: {  	_ =	shalt  }
0x87: {  	_ =	shalt  }
.Lfunc_end0:
.L_simem_size_0:
called_computation_lowered:
.L_overlay_start_0:
0x88: {  	s2 =	sld [smem:$0x3FD9]  }
0x89: {  	s3 =	sld [smem:$0x3FFE];
	_ =	sdelay $0x1  }
0x8a: {  	s1 =	srdreg.scid  }
0x8b: {  	s0 =	sand.u32 $0x1, s1  }
0x8c: {  	s17 =	sshll.u32 s0, $0xA;
	s2 =	sadd.s32 s3, s2  }
0x8d: {  	s2 =	sadd.s32 s2, s17  }
0x8e: {  	[smem:$0x3FC6] =	sst s2  }
0x8f: {  	_ = 	snop  }
0x90: {  	s2 =	sld [smem:$0x3FC9]  }
0x91: {  	s18 =	sld [smem:$0x3FC8]  }
0x92: {  	s4 =	sld [smem:$0x3FD0];
	(tm) =	ssettm $0x1  }
0x93: {  	s5 =	sld [smem:$0x3FFB];
	_ =	sdelay $0x3  }
0x94: {  	_ =	strace s5  }
0x95: {  	s5 =	sld [smem:$0x3FFC];
	_ =	sdelay $0x3  }
0x96: {  	_ =	strace s5  }
0x97: {  	s5 =	sld [smem:$0x3FFD];
	_ =	sdelay $0x3  }
0x98: {  	_ =	strace s5  }
0x99: {  	_ =	strace $0x8FFFFFFF  }
0x9a: {  	s19 =	sld [smem:$0x3FDB];
	_ =	sdelay $0x1  }
0x9b: {  	s6 =	simm.s32 $_scs_section_size  }
0x9c: {  	s7 =	simm.s32 $_size__tile_overlayer_lowered;
	s8 =	simm.s32 $_tile_overlayer_lowered  }
0x9d: {  	s22 =	simm.s32 $0x1BFF;
	s21 =	sshll.u32 s8, $0x1;
	s5 =	sadd.s32 s6, s19  }
0x9e: {  	s9 =	simm.s32 $0x0;
	s20 =	sshll.u32 s7, $0x1;
	s7 =	sadd.s32 s21, s5  }
0x9f: {  	[timem:s9], [sflag:s22] =	dma.local [hbm:s7], s20  }
0xa0: {  	_ =	swait.ge [sflag:s22], s20  }
0xa1: {  	s6 =	ssub.s32 $0x0, s20;
	[sflag:s22] =	ssyncset.done $0x0  }
0xa2: {  	[sflag:s22] =	ssyncadd.s32 s6;
	_ =	sdelay $0x1  }
0xa3: {  	s23 =	simm.s32 $0x1B8B  }
0xa4: {  	_ =	swait.ge [sflag:s23], $0x1  }
0xa5: {  	[sflag:s23] =	ssyncset.done $0x0  }
0xa6: {  	s25 =	simm.s32 $0x1B8E;
	s24 =	sld [smem:$0x3FFE];
	[sflag:s23] =	ssyncadd.s32 $0xFFFFFFFF  }
0xa7: {  	s26 =	simm.s32 $execute0_lowered;
	[smem:$0x3FD2] =	sst s25  }
0xa8: {  	s7 =	sshll.u32 s26, $0x1;
	_ =	strace $0x80000046;
	[dreg:$0x1] =	wrdreg $0xFFFFFFFF  }
0xa9: {  	s28 =	simm.s32 $_size_execute0_lowered;
	s5 =	sadd.s32 s5, s7;
	[dreg:$0x0] =	wrdreg $0x0  }
0xaa: {  	s7 =	sshll.u32 s28, $0x1;
	[dreg:$0x2] =	wrdreg s5  }
0xab: {  	[dreg:$0x3] =	wrdreg s7  }
0xac: {  	[dreg:$0x4] =	wrdreg $0xC0  }
0xad: {  	_ =	task [dreg:s9], $0x5FFFF  }
0xae: {  	[dreg:$0x1] =	wrdreg $0xFFFFFFFF  }
0xaf: {  	[dreg:$0x0] =	wrdreg $0x60  }
0xb0: {  	[dreg:$0x2] =	wrdreg s18  }
0xb1: {  	[dreg:$0x3] =	wrdreg s24  }
0xb2: {  	[dreg:$0x4] =	wrdreg s2  }
0xb3: {  	[dreg:$0x5] =	wrdreg s4  }
0xb4: {  	[dreg:$0x6] =	wrdreg $0x9  }
0xb5: {  	_ =	task.clear_ibuf [dreg:s9], $0x7FFFF;
	_ =	strace $0x90000046  }
0xb6: {  	s29 =	simm.s32 $0x9;
	_ =	strace $0x80000048  }
0xb7: {  	_ =	swait.ge [sflag:s29], $0x1  }
0xb8: {  	[sflag:s29] =	ssyncadd.s32 $0xFFFFFFFF  }
0xb9: {  	_ =	strace $0x90000048  }
0xba: {  	_ =	sfence  }
0xbb: {  	s30 =	sld [smem:$0x0];
	_ =	sdelay $0x2  }
0xbc: {  	s31 =	sshll.u32 s1, $0xD;
	s1 =	sshrl.u32 s1, $0x2  }
0xbd: {  	s3 =	sand.u32 $0x4000, s31;
	s1 =	sadd.s32 s1, s30  }
0xbe: {  	s0 =	sor.u32 s3, s0;
	s1 =	sshll.u32 s1, $0x11  }
0xbf: {  	s0 =	sor.u32 s1, s0  }
0xc0: {  	s0 =	sadd.s32 $0x8F2B, s0  }
0xc1: {  	[sflag:s0] =	ssyncadd.remote.s32 $0x1  }
0xc2: {  	_ =	sfence.sel $0xFFFF  }
0xc3: {  	[dreg:$0x0] =	wrdreg $0xFFFFFFFF;
	(pc) =	sbr.abs _section_cstart, $3  }
0xc4: {  	[dreg:$0x1] =	wrdreg $0xFFFFFFFF  }
0xc5: {  	_ =	task.clear_ibuf [dreg:s9], $0x2FFFF;
	_ =	strace $0x9FFFFFFF  }
0xc6: {  	(tm) =	ssettm $0x7FFFFFFF  }
0xc7: {  	_ =	shalt  }
tec
execute0_lowered:
.L_overlay_start_1:
0x0: {  	(tag) =	ssettag $0x1  }
0x1: {  	s1 =	rddreg [dreg:$0x0]  }
0x2: {  	s0 =	rddreg [dreg:$0x1]  }
0x3: {  	s2 =	rddreg [dreg:$0x2]  }
0x4: {  	s3 =	rddreg [dreg:$0x3];
	s5 =	simm.s32 $0x0  }
0x5: {  	[smem:$0x7FF] =	sst s5;
	s0 =	sadd.s32 $0x400, s0  }
0x6: {  	s15 =	sadd.s32 $0x10, s2;
	_ =	strace $0x80000047;
	[dreg:$0x5] =	wrdreg s0  }
0x7: {  	s4 =	srdreg.scid;
	s16 =	sadd.s32 $0x20, s2;
	[dreg:$0x7] =	wrdreg s15  }
0x8: {  	s7 =	stileid.u32;
	s17 =	sadd.s32 $0x80, s2;
	[dreg:$0x8] =	wrdreg s16  }
0x9: {  	s10 =	simm.s32 $0x400;
	s18 =	sadd.s32 $0x100, s2;
	[dreg:$0xa] =	wrdreg s17  }
0xa: {  	s11 =	simm.s32 $0x0;
	s19 =	sadd.s32 $0x180, s2;
	[dreg:$0xb] =	wrdreg s18  }
0xb: {  	s4 =	sand.u32 $0x1, s4;
	s20 =	sadd.s32 $0x200, s2;
	[dreg:$0xc] =	wrdreg s19  }
0xc: {  	s7 =	sshll.u32 s7, $0x1;
	s21 =	sadd.s32 $0x280, s2;
	[dreg:$0xd] =	wrdreg s20  }
0xd: {  	s22 =	sadd.s32 $0x300, s2;
	s23 =	sadd.s32 $0x380, s2;
	[dreg:$0xe] =	wrdreg s21  }
0xe: {  	s24 =	sadd.s32 $0x90, s2;
	s25 =	sadd.s32 $0x110, s2;
	[dreg:$0xf] =	wrdreg s22  }
0xf: {  	s26 =	sadd.s32 $0x190, s2;
	s28 =	sadd.s32 $0x1A0, s2;
	[dreg:$0x10] =	wrdreg s23  }
0x10: {  	s29 =	sadd.s32 $0x220, s2;
	s30 =	sadd.s32 $0x2A0, s2;
	[dreg:$0x11] =	wrdreg s24  }
0x11: {  	s31 =	sadd.s32 $0x320, s2;
	s6 =	ssub.s32 $0x2, s4;
	[dreg:$0x12] =	wrdreg s25  }
0x12: {  	s4 =	sor.u32 s4, s7;
	[dreg:$0x13] =	wrdreg s26;
	s21 =	sadd.s32 $0x210, s2  }
0x13: {  	s22 =	sadd.s32 $0x290, s2;
	s23 =	sadd.s32 $0x310, s2;
	s24 =	sadd.s32 $0x390, s2  }
0x14: {  	s25 =	sadd.s32 $0xA0, s2;
	s14 =	sshrl.u32 s6, $0x1;
	s4 =	smul.u32 $0x14, s4  }
0x15: {  	s26 =	sadd.s32 $0x120, s2;
	s7 =	simm.s32 $0x1;
	s0 =	ssub.s32 s6, s14  }
0x16: {  	s6 =	simm.s32 $0x3;
	[dreg:$0x6] =	wrdreg s4;
	s0 =	smax.u32 s0, $0x1  }
0x17: {  	s4 =	simm.s32 $0x80;
	[dreg:$0x9] =	wrdreg s0;
	s0 =	sadd.s32 $0x3A0, s2  }
.LBB2_1:
0x18: {  	[dreg:$0x14] =	wrdreg s11;
	s8 =	simm.s32 $0x0  }
.LBB2_2:
0x19: {  	s9 =	simm.s32 $0x0;
	s11 =	simm.s32 $0x18780  }
0x1a: {  	[tilespmem:s11], [sflag:$0x1] =	stream.linear.gather [hbm4b:s2+s9], $0x80, $0x38;
	[tilespmem:$0x1A780] =	vst v63  }
0x1b: {  	s18 =	rddreg [dreg:$0xa];
	s12 =	simm.s32 $0x18980  }
0x1c: {  	[tilespmem:s12], [sflag:$0x1] =	stream.linear.gather [hbm4b:s18+s9], $0x80, $0x38;
	[tilespmem:$0x1A780] =	vst v63  }
0x1d: {  	s19 =	rddreg [dreg:$0xb];
	s20 =	simm.s32 $0x18B80  }
0x1e: {  	[tilespmem:s20], [sflag:$0x1] =	stream.linear.gather [hbm4b:s19+s9], $0x80, $0x38;
	[tilespmem:$0x1A780] =	vst v63  }
0x1f: {  	s13 =	rddreg [dreg:$0xc];
	s14 =	simm.s32 $0x18D80  }
0x20: {  	[tilespmem:s14], [sflag:$0x1] =	stream.linear.gather [hbm4b:s13+s9], $0x80, $0x38;
	[tilespmem:$0x1A780] =	vst v63  }
0x21: {  	s15 =	rddreg [dreg:$0xd];
	s16 =	simm.s32 $0x18F80  }
0x22: {  	[tilespmem:s16], [sflag:$0x1] =	stream.linear.gather [hbm4b:s15+s9], $0x80, $0x38;
	[tilespmem:$0x1A780] =	vst v63  }
0x23: {  	s17 =	rddreg [dreg:$0xe];
	s18 =	simm.s32 $0x19180  }
0x24: {  	[tilespmem:s18], [sflag:$0x1] =	stream.linear.gather [hbm4b:s17+s9], $0x80, $0x38;
	[tilespmem:$0x1A780] =	vst v63  }
0x25: {  	s19 =	rddreg [dreg:$0xf];
	s20 =	simm.s32 $0x19380  }
0x26: {  	[tilespmem:s20], [sflag:$0x1] =	stream.linear.gather [hbm4b:s19+s9], $0x80, $0x38;
	[tilespmem:$0x1A780] =	vst v63  }
0x27: {  	s13 =	rddreg [dreg:$0x10];
	s14 =	simm.s32 $0x19580  }
0x28: {  	[tilespmem:s14], [sflag:$0x1] =	stream.linear.gather [hbm4b:s13+s9], $0x80, $0x38;
	[tilespmem:$0x1A780] =	vst v63  }
0x29: {  	s15 =	rddreg [dreg:$0x7];
	s16 =	simm.s32 $0x18800  }
0x2a: {  	[tilespmem:s16], [sflag:$0x1] =	stream.linear.gather [hbm4b:s15+s9], $0x80, $0x38;
	[tilespmem:$0x1A780] =	vst v63  }
0x2b: {  	s17 =	rddreg [dreg:$0x11];
	s18 =	simm.s32 $0x18A00  }
0x2c: {  	[tilespmem:s18], [sflag:$0x1] =	stream.linear.gather [hbm4b:s17+s9], $0x80, $0x38;
	[tilespmem:$0x1A780] =	vst v63  }
0x2d: {  	s19 =	rddreg [dreg:$0x12];
	s20 =	simm.s32 $0x18C00  }
0x2e: {  	[tilespmem:s20], [sflag:$0x1] =	stream.linear.gather [hbm4b:s19+s9], $0x80, $0x38;
	[tilespmem:$0x1A780] =	vst v63  }
0x2f: {  	s13 =	rddreg [dreg:$0x13];
	s14 =	simm.s32 $0x18E00  }
0x30: {  	[tilespmem:s14], [sflag:$0x1] =	stream.linear.gather [hbm4b:s13+s9], $0x80, $0x38;
	[tilespmem:$0x1A780] =	vst v63  }
0x31: {  	s15 =	simm.s32 $0x19000  }
0x32: {  	[tilespmem:s15], [sflag:$0x1] =	stream.linear.gather [hbm4b:s21+s9], $0x80, $0x38;
	[tilespmem:$0x1A780] =	vst v63  }
0x33: {  	s16 =	simm.s32 $0x19200  }
0x34: {  	[tilespmem:s16], [sflag:$0x1] =	stream.linear.gather [hbm4b:s22+s9], $0x80, $0x38;
	[tilespmem:$0x1A780] =	vst v63  }
0x35: {  	s17 =	simm.s32 $0x19400  }
0x36: {  	[tilespmem:s17], [sflag:$0x1] =	stream.linear.gather [hbm4b:s23+s9], $0x80, $0x38;
	[tilespmem:$0x1A780] =	vst v63  }
0x37: {  	s18 =	simm.s32 $0x19600  }
0x38: {  	[tilespmem:s18], [sflag:$0x1] =	stream.linear.gather [hbm4b:s24+s9], $0x80, $0x38;
	[tilespmem:$0x1A780] =	vst v63  }
0x39: {  	s19 =	rddreg [dreg:$0x8];
	s20 =	simm.s32 $0x18880  }
0x3a: {  	[tilespmem:s20], [sflag:$0x1] =	stream.linear.gather [hbm4b:s19+s9], $0x80, $0x38;
	[tilespmem:$0x1A780] =	vst v63  }
0x3b: {  	s12 =	simm.s32 $0x18A80  }
0x3c: {  	[tilespmem:s12], [sflag:$0x1] =	stream.linear.gather [hbm4b:s25+s9], $0x80, $0x38;
	[tilespmem:$0x1A780] =	vst v63  }
0x3d: {  	s13 =	simm.s32 $0x18C80;
	s19 =	rddreg [dreg:$0x6]  }
0x3e: {  	[tilespmem:s13], [sflag:$0x1] =	stream.linear.gather [hbm4b:s26+s9], $0x80, $0x38;
	[tilespmem:$0x1A780] =	vst v63  }
0x3f: {  	s14 =	simm.s32 $0x18E80;
	s11 =	sadd.s32 s19, s8  }
0x40: {  	[tilespmem:s14], [sflag:$0x1] =	stream.linear.gather [hbm4b:s28+s9], $0x80, $0x38;
	[tilespmem:$0x1A780] =	vst v63  }
0x41: {  	s15 =	simm.s32 $0x19080;
	s12 =	sshrl.u32 s11, $0x3;
	s11 =	sshll.u32 s11, $0x7  }
0x42: {  	[tilespmem:s15], [sflag:$0x1] =	stream.linear.gather [hbm4b:s29+s9], $0x80, $0x38;
	[tilespmem:$0x1A780] =	vst v63  }
0x43: {  	s16 =	simm.s32 $0x19280;
	s13 =	smul.u32 $0xC3800, s12;
	s14 =	sand.u32 $0x380, s11  }
0x44: {  	[tilespmem:s16], [sflag:$0x1] =	stream.linear.gather [hbm4b:s30+s9], $0x80, $0x38;
	[tilespmem:$0x1A780] =	vst v63  }
0x45: {  	s17 =	simm.s32 $0x19480;
	s11 =	sor.u32 s14, s13  }
0x46: {  	[tilespmem:s17], [sflag:$0x1] =	stream.linear.gather [hbm4b:s31+s9], $0x80, $0x38;
	[tilespmem:$0x1A780] =	vst v63  }
0x47: {  	s18 =	simm.s32 $0x19680;
	s13 =	sshrl.u32 s11, $0x3  }
0x48: {  	[tilespmem:s18], [sflag:$0x1] =	stream.linear.gather [hbm4b:s0+s9], $0x80, $0x38;
	[tilespmem:$0x1A780] =	vst v63  }
0x49: {  	s20 =	sadd.s32 $0x31000, s11;
	s13 =	sadd.s32 s1, s13  }
0x4a: {  	[tilespmem:s9], [sflag:$0x3] =	stream.strided.gather [hbm4b:s13+s4], $0x6200, s10, s4, $0x38;
	[tilespmem:$0x1A780] =	vst v63  }
0x4b: {  	s13 =	sshrl.u32 s20, $0x3  }
0x4c: {  	s15 =	simm.s32 $0x6200;
	s13 =	sadd.s32 s1, s13  }
0x4d: {  	[tilespmem:s15], [sflag:$0x3] =	stream.strided.gather [hbm4b:s13+s4], $0x6200, s10, s4, $0x38;
	[tilespmem:$0x1A780] =	vst v63  }
0x4e: {  	s15 =	sadd.s32 $0x62000, s11  }
0x4f: {  	s11 =	sadd.s32 $0x93000, s11;
	s13 =	sshrl.u32 s15, $0x3  }
0x50: {  	s16 =	simm.s32 $0xC400;
	s11 =	sshrl.u32 s11, $0x3;
	s13 =	sadd.s32 s1, s13  }
0x51: {  	[tilespmem:s16], [sflag:$0x3] =	stream.strided.gather [hbm4b:s13+s4], $0x6200, s10, s4, $0x38;
	[tilespmem:$0x1A780] =	vst v63  }
0x52: {  	s17 =	simm.s32 $0x12600;
	s18 =	sshll.u32 s12, $0xA;
	s11 =	sadd.s32 s1, s11  }
0x53: {  	[tilespmem:s17], [sflag:$0x3] =	stream.strided.gather [hbm4b:s11+s4], $0x6080, s10, s4, $0x38;
	[tilespmem:$0x1A780] =	vst v63  }
0x54: {  	s11 =	sor.u32 s14, s18  }
0x55: {  	s19 =	rddreg [dreg:$0x5];
	s11 =	sshrl.u32 s11, $0x3  }
0x56: {  	s20 =	simm.s32 $0x18700;
	s11 =	sadd.s32 s19, s11  }
0x57: {  	[tilespmem:s20], [sflag:$0x3] =	stream.linear.gather [hbm4b:s11+s9], $0x80, $0x38;
	[tilespmem:$0x1A780] =	vst v63  }
0x58: {  	_ =	swait.ge [sflag:s6], $0x6200  }
0x59: {  	[sflag:s6] =	ssyncset.done $0x0  }
0x5a: {  	[sflag:s6] =	ssyncadd.s32 $0xFFFF9E00  }
0x5b: {  	_ =	swait.ge [sflag:s6], $0x6200  }
0x5c: {  	[sflag:s6] =	ssyncset.done $0x0  }
0x5d: {  	[sflag:s6] =	ssyncadd.s32 $0xFFFF9E00  }
0x5e: {  	_ =	swait.ge [sflag:s6], $0x6200  }
0x5f: {  	[sflag:s6] =	ssyncset.done $0x0  }
0x60: {  	[sflag:s6] =	ssyncadd.s32 $0xFFFF9E00  }
0x61: {  	_ =	swait.ge [sflag:s6], $0x6080  }
0x62: {  	[sflag:s6] =	ssyncset.done $0x0  }
0x63: {  	[sflag:s6] =	ssyncadd.s32 $0xFFFF9F80  }
0x64: {  	_ =	swait.ge [sflag:s6], $0x80  }
0x65: {  	[sflag:s6] =	ssyncset.done $0x0  }
0x66: {  	[sflag:s6] =	ssyncadd.s32 $0xFFFFFF80  }
0x67: {  	v0 =	vld [tilespmem:$0x18760]  }
0x68: {  	v1 =	vld [tilespmem:$0x18770];
	_ =	sdelay $0x3  }
0x69: {  	s12 =	sshll.u32 s12, $0xD;
	[tilespmem:$0x18680] =	vst v0  }
0x6a: {  	s12 =	sor.u32 s14, s12;
	s13 =	simm.s32 $0x0;
	s11 =	smul.u32 $0x1A, s8;
	[tilespmem:$0x18690] =	vst v1  }
.LBB2_3:
0x6b: {  	p0 =	sgt.u32 s13, $0x16  }
0x6c: {  	_ =	swait.ge [sflag:s7], $0x400;
	s14 =	sadd.s32 @!p0 $0x3, s13  }
0x6d: {  	[sflag:s7] =	ssyncset.done $0x0;
	s15 =	sshll.u32 @!p0 s14, $0x4  }
0x6e: {  	[sflag:s7] =	ssyncadd.s32 $0xFFFFFC00;
	s14 =	sshll.u32 @!p0 s14, $0x7;
	s15 =	sand.u32 @!p0 $0x70, s15  }
0x6f: {  	s16 =	sand.u32 @!p0 $0x180, s14;
	s14 =	sand.u32 @!p0 $0x1C00, s14;
	s15 =	sadd.s32 @!p0 s2, s15  }
0x70: {  	s17 =	sadd.s32 @!p0 $0x18780, s16;
	s14 =	sadd.s32 @!p0 s14, s15;
	s15 =	simm.s32 @!p0 $0x0  }
0x71: {  	[tilespmem:s17], [sflag:$0x1] =	stream.linear.gather @!p0 [hbm4b:s14+s15], $0x80, $0x38;
	[tilespmem:$0x1A780] =	vst v63  }
0x72: {  	s18 =	sadd.s32 @!p0 $0x18980, s16;
	s17 =	sadd.s32 @!p0 $0x80, s14  }
0x73: {  	[tilespmem:s18], [sflag:$0x1] =	stream.linear.gather @!p0 [hbm4b:s17+s15], $0x80, $0x38;
	[tilespmem:$0x1A780] =	vst v63  }
0x74: {  	s17 =	sadd.s32 @!p0 $0x100, s14;
	s18 =	sadd.s32 @!p0 $0x18B80, s16  }
0x75: {  	[tilespmem:s18], [sflag:$0x1] =	stream.linear.gather @!p0 [hbm4b:s17+s15], $0x80, $0x38;
	[tilespmem:$0x1A780] =	vst v63  }
0x76: {  	s17 =	sadd.s32 @!p0 $0x180, s14;
	s18 =	sadd.s32 @!p0 $0x18D80, s16  }
0x77: {  	[tilespmem:s18], [sflag:$0x1] =	stream.linear.gather @!p0 [hbm4b:s17+s15], $0x80, $0x38;
	[tilespmem:$0x1A780] =	vst v63  }
0x78: {  	s17 =	sadd.s32 @!p0 $0x200, s14;
	s18 =	sadd.s32 @!p0 $0x18F80, s16  }
0x79: {  	[tilespmem:s18], [sflag:$0x1] =	stream.linear.gather @!p0 [hbm4b:s17+s15], $0x80, $0x38;
	[tilespmem:$0x1A780] =	vst v63  }
0x7a: {  	s17 =	sadd.s32 @!p0 $0x280, s14;
	s18 =	sadd.s32 @!p0 $0x19180, s16  }
0x7b: {  	[tilespmem:s18], [sflag:$0x1] =	stream.linear.gather @!p0 [hbm4b:s17+s15], $0x80, $0x38;
	[tilespmem:$0x1A780] =	vst v63  }
0x7c: {  	s17 =	sadd.s32 @!p0 $0x300, s14;
	s18 =	sadd.s32 @!p0 $0x19380, s16  }
0x7d: {  	[tilespmem:s18], [sflag:$0x1] =	stream.linear.gather @!p0 [hbm4b:s17+s15], $0x80, $0x38;
	[tilespmem:$0x1A780] =	vst v63  }
0x7e: {  	s20 =	sadd.s32 s11, s13;
	s14 =	sadd.s32 @!p0 $0x380, s14;
	s16 =	sadd.s32 @!p0 $0x19580, s16  }
0x7f: {  	[tilespmem:s16], [sflag:$0x1] =	stream.linear.gather @!p0 [hbm4b:s14+s15], $0x80, $0x38;
	[tilespmem:$0x1A780] =	vst v63  }
0x80: {  	p0 =	slt.u32 s20, $0x4  }
0x81: {  	s17 =	sand.u32 $0x40, s9;
	s15 =	simm.s32 @!p0 $0x2  }
0x82: {  	s18 =	sand.u32 $0xE00, s9;
	s16 =	sshll.u32 s13, $0x7;
	_ =	swait.ge @!p0 [sflag:s15], $0x400  }
0x83: {  	s14 =	sand.u32 $0x180, s16;
	s16 =	sor.u32 s18, s17;
	[sflag:s15] =	ssyncset.done @!p0 $0x0  }
0x84: {  	s16 =	sor.u32 s14, s16;
	[sflag:s15] =	ssyncadd.s32 @!p0 $0xFFFFFC00  }
0x85: {  	v6 =	vld [tilespmem:s16+$0x18790]  }
0x86: {  	s19 =	simm.s32 $0x40;
	s17 =	simm.s32 $0x100;
	v0 =	vld [tilespmem:s16+$0x187A0]  }
0x87: {  	s20 =	sand.u32 $0xE00, s17;
	s15 =	sand.u32 $0x40, s19;
	v2 =	vld [tilespmem:s16+$0x187B0]  }
0x88: {  	s15 =	sor.u32 s20, s15;
	v1 =	vld [tilespmem:s16+$0x18780]  }
0x89: {  	s15 =	sor.u32 s14, s15  }
0x8a: {  	v4 =	vld [tilespmem:s15+$0x187A0]  }
0x8b: {  	v5 =	vld [tilespmem:s15+$0x18790]  }
0x8c: {  	v3 =	vld [tilespmem:s15+$0x187B0]  }
0x8d: {  	s18 =	simm.s32 $0x80;
	v6 =	vld.idx.msk [tilespmem:v6+s5+$0x0], $0xffff  }
.LBB2_4:
0x8e: {  	p0 =	sne.s32 s18, $0x3C0;
	v7 =	vld.idx.msk [tilespmem:v0+s5+$0x0], $0xffff;
	s19 =	smov.u32 s18;
	s18 =	sadd.s32 $0x40, s18  }
0x8f: {  	v8 =	vld.idx.msk [tilespmem:v2+s5+$0x0], $0xffff;
	v0 =	vmov v4  }
0x90: {  	s17 =	sadd.s32 $0x100, s17;
	v9 =	vld.idx.msk [tilespmem:v1+s5+$0x0], $0xffff;
	v10 =	vmov v5  }
0x91: {  	s19 =	sand.u32 $0x40, s19;
	s20 =	sand.u32 $0xE00, s17;
	v1 =	vld [tilespmem:s15+$0x18780];
	v2 =	vmov v3  }
0x92: {  	s19 =	sor.u32 s20, s19  }
.Ltmp0:
0x93: {  	s19 =	sor.u32 s14, s19;
	[tilespmem:s16+$0x19790] =	vst v6;
	(pc) =	sbr.rel @p0 .LBB2_4-.Ltmp0, $4  }
0x94: {  	v4 =	vld [tilespmem:s19+$0x187A0];
	[tilespmem:s16+$0x197A0] =	vst v7  }
0x95: {  	v5 =	vld [tilespmem:s19+$0x18790];
	[tilespmem:s16+$0x197B0] =	vst v8  }
0x96: {  	v3 =	vld [tilespmem:s19+$0x187B0];
	[tilespmem:s16+$0x19780] =	vst v9;
	s16 =	smov.u32 s15;
	s15 =	smov.u32 s19  }
0x97: {  	v6 =	vld.idx.msk [tilespmem:v10+s5+$0x0], $0xffff  }
0x98: {  	_ =	sdelay $0x3  }
0x99: {  	v0 =	vld.idx.msk [tilespmem:v0+s5+$0x0], $0xffff  }
0x9a: {  	v2 =	vld.idx.msk [tilespmem:v2+s5+$0x0], $0xffff  }
0x9b: {  	v1 =	vld.idx.msk [tilespmem:v1+s5+$0x0], $0xffff  }
0x9c: {  	v7 =	vld [tilespmem:s15+$0x18780]  }
0x9d: {  	[tilespmem:s16+$0x19790] =	vst v6  }
0x9e: {  	[tilespmem:s16+$0x197A0] =	vst v0  }
0x9f: {  	[tilespmem:s16+$0x197B0] =	vst v2  }
0xa0: {  	[tilespmem:s16+$0x19780] =	vst v1  }
0xa1: {  	v0 =	vld.idx.msk [tilespmem:v5+s5+$0x0], $0xffff  }
0xa2: {  	v1 =	vld.idx.msk [tilespmem:v4+s5+$0x0], $0xffff  }
0xa3: {  	v2 =	vld.idx.msk [tilespmem:v3+s5+$0x0], $0xffff  }
0xa4: {  	v63 =	vld.idx.msk [tilespmem:v7+s5+$0x0], $0xffff  }
0xa5: {  	s18 =	smul.u32 $0xA0000, s13  }
0xa6: {  	[tilespmem:s15+$0x19790] =	vst v0  }
0xa7: {  	s16 =	sadd.s32 s12, s18;
	[tilespmem:s15+$0x197A0] =	vst v1  }
0xa8: {  	s16 =	sshrl.u32 s16, $0x3;
	[tilespmem:s15+$0x197B0] =	vst v2  }
0xa9: {  	s19 =	sadd.s32 $0x19780, s14;
	[tilespmem:s15+$0x19780] =	vst v63;
	s15 =	sadd.s32 s3, s16  }
0xaa: {  	[hbm4b:s15+s5] =	stream.linear.scatter [tilespmem:s19], [sflag:$0x2], $0x80, $0x38;
	[tilespmem:$0x1A780] =	vst v63  }
0xab: {  	s20 =	sadd.s32 $0x19980, s14;
	s17 =	sadd.s32 $0x80, s15  }
0xac: {  	[hbm4b:s17+s5] =	stream.linear.scatter [tilespmem:s20], [sflag:$0x2], $0x80, $0x38;
	[tilespmem:$0x1A780] =	vst v63  }
0xad: {  	s18 =	sadd.s32 $0x100, s15;
	s17 =	sadd.s32 $0x19B80, s14  }
0xae: {  	[hbm4b:s18+s5] =	stream.linear.scatter [tilespmem:s17], [sflag:$0x2], $0x80, $0x38;
	[tilespmem:$0x1A780] =	vst v63  }
0xaf: {  	s19 =	sadd.s32 $0x19D80, s14;
	s20 =	sadd.s32 $0x180, s15  }
0xb0: {  	[hbm4b:s20+s5] =	stream.linear.scatter [tilespmem:s19], [sflag:$0x2], $0x80, $0x38;
	[tilespmem:$0x1A780] =	vst v63  }
0xb1: {  	s13 =	sadd.s32 $0x1, s13;
	s17 =	sadd.s32 $0x19F80, s14;
	s18 =	sadd.s32 $0x200, s15  }
0xb2: {  	[hbm4b:s18+s5] =	stream.linear.scatter [tilespmem:s17], [sflag:$0x2], $0x80, $0x38;
	[tilespmem:$0x1A780] =	vst v63  }
0xb3: {  	p0 =	sne.s32 s13, $0x1A;
	s19 =	sadd.s32 $0x1A180, s14;
	s20 =	sadd.s32 $0x280, s15  }
0xb4: {  	[hbm4b:s20+s5] =	stream.linear.scatter [tilespmem:s19], [sflag:$0x2], $0x80, $0x38;
	[tilespmem:$0x1A780] =	vst v63  }
.Ltmp1:
0xb5: {  	_ = 	snop;
	(pc) =	sbr.rel @p0 .LBB2_3-.Ltmp1, $4  }
0xb6: {  	s18 =	sadd.s32 $0x1A380, s14;
	s19 =	sadd.s32 $0x300, s15  }
0xb7: {  	[hbm4b:s19+s5] =	stream.linear.scatter [tilespmem:s18], [sflag:$0x2], $0x80, $0x38;
	[tilespmem:$0x1A780] =	vst v63  }
0xb8: {  	s20 =	sadd.s32 $0x1A580, s14;
	s15 =	sadd.s32 $0x380, s15  }
0xb9: {  	[hbm4b:s15+s5] =	stream.linear.scatter [tilespmem:s20], [sflag:$0x2], $0x80, $0x38;
	[tilespmem:$0x1A780] =	vst v63  }
0xba: {  	s8 =	sadd.s32 $0x1, s8  }
0xbb: {  	p0 =	sne.s32 s8, $0x14  }
.Ltmp2:
0xbc: {  	_ = 	snop;
	(pc) =	sbr.rel @p0 .LBB2_2-.Ltmp2, $1  }
0xbd: {  	_ =	sdelay $0x3  }
0xbe: {  	s9 =	simm.s32 $0x2  }
0xbf: {  	_ =	swait.ge [sflag:s9], $0x400  }
0xc0: {  	[sflag:s9] =	ssyncset.done $0x0  }
0xc1: {  	[sflag:s9] =	ssyncadd.s32 $0xFFFFFC00  }
0xc2: {  	_ =	swait.ge [sflag:s9], $0x400  }
0xc3: {  	[sflag:s9] =	ssyncset.done $0x0  }
0xc4: {  	[sflag:s9] =	ssyncadd.s32 $0xFFFFFC00  }
0xc5: {  	_ =	swait.ge [sflag:s9], $0x400  }
0xc6: {  	[sflag:s9] =	ssyncset.done $0x0  }
0xc7: {  	[sflag:s9] =	ssyncadd.s32 $0xFFFFFC00  }
0xc8: {  	_ =	swait.ge [sflag:s9], $0x400  }
0xc9: {  	s11 =	rddreg [dreg:$0x14]  }
0xca: {  	s8 =	rddreg [dreg:$0x9];
	s11 =	sadd.s32 $0x1, s11  }
0xcb: {  	p0 =	sne.s32 s11, s8  }
.Ltmp3:
0xcc: {  	_ = 	snop;
	(pc) =	sbr.rel @p0 .LBB2_1-.Ltmp3, $3  }
0xcd: {  	_ =	sdelay $0x1  }
0xce: {  	[sflag:s9] =	ssyncset.done $0x0  }
0xcf: {  	[sflag:s9] =	ssyncadd.s32 $0xFFFFFC00  }
0xd0: {  	_ =	sfence.sel $0x180000  }
0xd1: {  	[bflag:$0x0] =	sbarrier.arrive $0xFFFF  }
0xd2: {  	_ =	strace $0x90000047  }
0xd3: {  	s0 =	stileid.u32;
	[bflag:$0x2] =	sbarrier.arrive $0xFFFF  }
0xd4: {  	p0 =	sne.s32 s0, $0x0;
	s0 =	rddreg [dreg:$0x4]  }
0xd5: {  	s0 =	sadd.s32 @!p0 $0x100000, s0  }
0xd6: {  	[sflag:s0] =	ssyncadd.tile.s32 @!p0 $0x1;
	_ =	shalt  }
.Lfunc_end2:
_tile_overlayer_lowered:
.L_overlay_start_2:
0xd7: {  	(tag) =	ssettag $0x2  }
0xd8: {  	s0 =	rddreg [dreg:$0x0];
	s2 =	stileid.u32  }
0xd9: {  	s1 =	rddreg [dreg:$0x1];
	p0 =	sne.s32 s2, $0x0  }
0xda: {  	s3 =	rddreg [dreg:$0x2];
	[bflag:$0x3] =	sbarrier.arrive $0xFFFF;
	s2 =	simm.s32 @!p0 $0x1C04  }
0xdb: {  	[timem:s3], [sflag:s2] =	dma.local @!p0 [hbm:s0], s1  }
0xdc: {  	s0 =	simm.s32 @!p0 $0x4  }
0xdd: {  	_ =	swait.ge @!p0 [sflag:s0], s1  }
0xde: {  	s1 =	ssub.s32 @!p0 $0x0, s1;
	[sflag:s0] =	ssyncset.done @!p0 $0x0  }
0xdf: {  	[sflag:s0] =	ssyncadd.s32 @!p0 s1  }
0xe0: {  	[bflag:$0x3] =	sbarrier.arrive $0xFFFF  }
0xe1: {  	_ =	shalt  }

</sc_bundles>
